<compile_context>
chip_gen: v7x
topology: tpu7x:2x2x1
jax: 0.10.2.dev20260603
libtpu: 0.0.44.dev20260713+nightly
codegen_flags: <defaults>
</compile_context>

<pallas_src>
import functools

import jax
import jax.numpy as jnp
from jax import lax
from jax.experimental import pallas as pl
from jax.experimental.pallas import tpu as pltpu
from jax.experimental.pallas import tpu_sc as plsc

NUM_TOKENS = 8192
D = 256
B = 16384

NC = 2
NS = 16
NW = NC * NS
B_PER_W = B // NW
CH = 64
N_CHUNKS = B_PER_W // CH


_TBLK = 4096


def _transpose_body(w_ref, t_ref):
    t_ref[...] = w_ref[...].T


def _transpose_weight(weight):
    return pl.pallas_call(
        _transpose_body,
        grid=(NUM_TOKENS // _TBLK,),
        in_specs=[pl.BlockSpec((D, _TBLK), lambda i: (0, i))],
        out_specs=pl.BlockSpec((_TBLK, D), lambda i: (i, 0)),
        out_shape=jax.ShapeDtypeStruct((NUM_TOKENS, D), jnp.float32),
    )(weight)


NBUF = 6


def _sc_gather_body(table_hbm, idx_hbm, out_hbm, idx_v, bufs, gsems, wsems):
    wid = lax.axis_index("s") * NC + lax.axis_index("c")
    base = wid * B_PER_W
    pltpu.sync_copy(idx_hbm.at[wid], idx_v)
    def gather(c):
        return pltpu.async_copy(
            table_hbm.at[idx_v.at[c]], bufs.at[c % NBUF], gsems[c % NBUF])

    def write(c):
        return pltpu.async_copy(
            bufs.at[c % NBUF], out_hbm.at[pl.ds(base + c * CH, CH)],
            wsems[c % NBUF])

    gathers = [None] * N_CHUNKS
    writes = [None] * N_CHUNKS
    for c in range(min(NBUF, N_CHUNKS)):
        gathers[c] = gather(c)
    for c in range(min(NBUF, N_CHUNKS)):
        gathers[c].wait()
        writes[c] = write(c)
    for c in range(NBUF, N_CHUNKS):
        writes[c - NBUF].wait()
        gathers[c] = gather(c)
        gathers[c].wait()
        writes[c] = write(c)
    for c in range(max(0, N_CHUNKS - NBUF), N_CHUNKS):
        writes[c].wait()


@functools.partial(
    pl.kernel,
    mesh=plsc.VectorSubcoreMesh(core_axis_name="c", subcore_axis_name="s"),
    out_type=jax.ShapeDtypeStruct((B, D), jnp.float32),
    scratch_types=(
        [pltpu.VMEM((N_CHUNKS, CH), jnp.int32),
         pltpu.VMEM((NBUF, CH, D), jnp.float32)]
        + [pltpu.SemaphoreType.DMA] * (2 * NBUF)
    ),
)
def _sc_gather(table_hbm, idx_hbm, out_hbm, idx_v, bufs, *sems):
    _sc_gather_body(table_hbm, idx_hbm, out_hbm, idx_v, bufs,
                    sems[:NBUF], sems[NBUF:])


def kernel(embed_id, weight):
    shape = embed_id.shape
    idx = embed_id.reshape(NW, N_CHUNKS, CH).astype(jnp.int32)
    table = _transpose_weight(weight)
    out = _sc_gather(table, idx)
    return out.reshape(*shape, D)

# --- scband reference (transcript-rebuilt; emitter-appended) ---
"""Pipeline reference for scband-sonnet-embedding-ema-86784109183326 (READ-ONLY COPY).

The authoritative reference and input builder live on the scoring server;
editing this copy changes nothing except your own understanding.
"""

import jax, jax.numpy as jnp
import numpy as np

NUM_TOKENS = 8192
CODEBOOK_DIM = 256

def setup_inputs(seed: int = 0) -> dict:
    key = jax.random.key(seed)
    k1, k2 = jax.random.split(key)
    embed_id = jax.random.randint(k1, (16, 32, 32), 0, NUM_TOKENS, dtype=jnp.int64)
    # buffer: weight has shape (codebook_dim, num_tokens), as in the torch module
    weight = jax.random.normal(k2, (CODEBOOK_DIM, NUM_TOKENS), dtype=jnp.float32)
    return {"embed_id": embed_id, "weight": weight}

def reference(embed_id, weight):
    # F.embedding(embed_id, weight.transpose(0, 1)) == weight.T[embed_id]
    table = weight.T  # (num_tokens, codebook_dim)
    return jnp.take(table, embed_id, axis=0)  # (16, 32, 32, codebook_dim)

if __name__ == "__main__":
    import jax
    _d = setup_inputs()
    print(jax.jit(kernel)(*tuple(_d.values())))

</pallas_src>

<mosaic_0001>
#map = affine_map<(d0, d1) -> (0, 0)>
#map1 = affine_map<(d0, d1) -> (0, 0, 0)>
module attributes {stable_mosaic.version = 14 : i64} {
  func.func @_sc_gather(%arg0: i32, %arg1: i32, %arg2: memref<8192x256xf32, #tpu.memory_space<hbm>>, %arg3: memref<32x8x64xi32, #tpu.memory_space<hbm>>, %arg4: memref<16384x256xf32, #tpu.memory_space<hbm>>, %arg5: memref<8x64xi32, #tpu.memory_space<vmem>>, %arg6: memref<6x64x256xf32, #tpu.memory_space<vmem>>, %arg7: memref<!tpu.dma_semaphore, #tpu.memory_space<semaphore_mem>>, %arg8: memref<!tpu.dma_semaphore, #tpu.memory_space<semaphore_mem>>, %arg9: memref<!tpu.dma_semaphore, #tpu.memory_space<semaphore_mem>>, %arg10: memref<!tpu.dma_semaphore, #tpu.memory_space<semaphore_mem>>, %arg11: memref<!tpu.dma_semaphore, #tpu.memory_space<semaphore_mem>>, %arg12: memref<!tpu.dma_semaphore, #tpu.memory_space<semaphore_mem>>, %arg13: memref<!tpu.dma_semaphore, #tpu.memory_space<semaphore_mem>>, %arg14: memref<!tpu.dma_semaphore, #tpu.memory_space<semaphore_mem>>, %arg15: memref<!tpu.dma_semaphore, #tpu.memory_space<semaphore_mem>>, %arg16: memref<!tpu.dma_semaphore, #tpu.memory_space<semaphore_mem>>, %arg17: memref<!tpu.dma_semaphore, #tpu.memory_space<semaphore_mem>>, %arg18: memref<!tpu.dma_semaphore, #tpu.memory_space<semaphore_mem>>) attributes {dimension_semantics = [#tpu.dimension_semantics<core_parallel>, #tpu.dimension_semantics<subcore_parallel>], iteration_bounds = array<i64: 2, 16>, scalar_prefetch = 0 : i64, scratch_operands = 14 : i64, tpu.core_type = #tpu.core_type<sc_vector_subcore>, window_params = [{transform_indices = #map}, {transform_indices = #map1}, {transform_indices = #map}]} {
    %mul3A = arith.constant 2 : i32
    %mul3A_0 = arith.muli %arg1, %mul3A : i32
    %add3A = arith.addi %mul3A_0, %arg0 : i32
    %mul3A_1 = arith.constant 512 : i32
    %mul3A_2 = arith.muli %add3A, %mul3A_1 : i32
    "tpu.region"() ({
      %run_scoped3A = tpu.sem_alloc : memref<!tpu.dma_semaphore, #tpu.memory_space<semaphore_mem>>
      %dma_start3A_417 = arith.constant 0 : i32
      %dma_start3A_418 = arith.constant 0 : i32
      %dma_start3A_419 = tpu.memref_slice %arg3[%add3A, %dma_start3A_417, %dma_start3A_418] : memref<32x8x64xi32, #tpu.memory_space<hbm>> -> memref<1x8x64xi32, #tpu.memory_space<hbm>>
      %dma_start3A_420 = tpu.memref_squeeze %dma_start3A_419 : memref<1x8x64xi32, #tpu.memory_space<hbm>> -> memref<8x64xi32, #tpu.memory_space<hbm>>
      %dma_start3A_421 = arith.constant 0 : i32
      %dma_start3A_422 = arith.constant 0 : i32
      %dma_start3A_423 = tpu.memref_slice %arg3[%add3A, %dma_start3A_421, %dma_start3A_422] : memref<32x8x64xi32, #tpu.memory_space<hbm>> -> memref<1x8x64xi32, #tpu.memory_space<hbm>>
      %dma_start3A_424 = tpu.memref_squeeze %dma_start3A_423 : memref<1x8x64xi32, #tpu.memory_space<hbm>> -> memref<8x64xi32, #tpu.memory_space<hbm>>
      tpu.enqueue_dma source(%dma_start3A_424 : memref<8x64xi32, #tpu.memory_space<hbm>>) target(%arg5 : memref<8x64xi32, #tpu.memory_space<vmem>>) target_semaphore(%run_scoped3A : memref<!tpu.dma_semaphore, #tpu.memory_space<semaphore_mem>>)
      %dma_wait3A_425 = arith.constant 0 : i32
      %dma_wait3A_426 = arith.constant 0 : i32
      %dma_wait3A_427 = tpu.memref_slice %arg3[%add3A, %dma_wait3A_425, %dma_wait3A_426] : memref<32x8x64xi32, #tpu.memory_space<hbm>> -> memref<1x8x64xi32, #tpu.memory_space<hbm>>
      %dma_wait3A_428 = tpu.memref_squeeze %dma_wait3A_427 : memref<1x8x64xi32, #tpu.memory_space<hbm>> -> memref<8x64xi32, #tpu.memory_space<hbm>>
      %dma_wait3A_429 = arith.constant 0 : i32
      %dma_wait3A_430 = arith.constant 0 : i32
      %dma_wait3A_431 = tpu.memref_slice %arg3[%add3A, %dma_wait3A_429, %dma_wait3A_430] : memref<32x8x64xi32, #tpu.memory_space<hbm>> -> memref<1x8x64xi32, #tpu.memory_space<hbm>>
      %dma_wait3A_432 = tpu.memref_squeeze %dma_wait3A_431 : memref<1x8x64xi32, #tpu.memory_space<hbm>> -> memref<8x64xi32, #tpu.memory_space<hbm>>
      tpu.wait_dma2 semaphore(%run_scoped3A : memref<!tpu.dma_semaphore, #tpu.memory_space<semaphore_mem>>) src(%dma_wait3A_432 : memref<8x64xi32, #tpu.memory_space<hbm>>) dst(%arg5 : memref<8x64xi32, #tpu.memory_space<vmem>>)
      tpu.yield
    }) : () -> ()
    %dma_start3A = arith.constant 0 : i32
    %dma_start3A_3 = arith.constant 0 : i32
    %dma_start3A_4 = arith.constant 0 : i32
    %dma_start3A_5 = arith.constant 0 : i32
    %dma_start3A_6 = tpu.memref_slice %arg6[%dma_start3A_3, %dma_start3A_4, %dma_start3A_5] : memref<6x64x256xf32, #tpu.memory_space<vmem>> -> memref<1x64x256xf32, #tpu.memory_space<vmem>>
    %dma_start3A_7 = tpu.memref_squeeze %dma_start3A_6 : memref<1x64x256xf32, #tpu.memory_space<vmem>> -> memref<64x256xf32, #tpu.memory_space<vmem>>
    %dma_start3A_8 = arith.constant 0 : i32
    %dma_start3A_9 = tpu.memref_slice %arg5[%dma_start3A, %dma_start3A_8] : memref<8x64xi32, #tpu.memory_space<vmem>> -> memref<1x64xi32, #tpu.memory_space<vmem>>
    %dma_start3A_10 = tpu.memref_squeeze %dma_start3A_9 : memref<1x64xi32, #tpu.memory_space<vmem>> -> memref<64xi32, #tpu.memory_space<vmem>>
    %dma_start3A_11 = arith.constant 0 : i32
    %dma_start3A_12 = arith.constant 0 : i32
    %dma_start3A_13 = tpu.memref_slice %arg2[%dma_start3A_11, %dma_start3A_12] : memref<8192x256xf32, #tpu.memory_space<hbm>> -> memref<8192x256xf32, #tpu.memory_space<hbm>>
    tpu.enqueue_indirect_dma source(%dma_start3A_13 : memref<8192x256xf32, #tpu.memory_space<hbm>>) target(%dma_start3A_7 : memref<64x256xf32, #tpu.memory_space<vmem>>) offsets(%dma_start3A_10 : memref<64xi32, #tpu.memory_space<vmem>>) semaphore(%arg7 : memref<!tpu.dma_semaphore, #tpu.memory_space<semaphore_mem>>)
    %dma_start3A_14 = arith.constant 1 : i32
    %dma_start3A_15 = arith.constant 1 : i32
    %dma_start3A_16 = arith.constant 0 : i32
    %dma_start3A_17 = arith.constant 0 : i32
    %dma_start3A_18 = tpu.memref_slice %arg6[%dma_start3A_15, %dma_start3A_16, %dma_start3A_17] : memref<6x64x256xf32, #tpu.memory_space<vmem>> -> memref<1x64x256xf32, #tpu.memory_space<vmem>>
    %dma_start3A_19 = tpu.memref_squeeze %dma_start3A_18 : memref<1x64x256xf32, #tpu.memory_space<vmem>> -> memref<64x256xf32, #tpu.memory_space<vmem>>
    %dma_start3A_20 = arith.constant 0 : i32
    %dma_start3A_21 = tpu.memref_slice %arg5[%dma_start3A_14, %dma_start3A_20] : memref<8x64xi32, #tpu.memory_space<vmem>> -> memref<1x64xi32, #tpu.memory_space<vmem>>
    %dma_start3A_22 = tpu.memref_squeeze %dma_start3A_21 : memref<1x64xi32, #tpu.memory_space<vmem>> -> memref<64xi32, #tpu.memory_space<vmem>>
    %dma_start3A_23 = arith.constant 0 : i32
    %dma_start3A_24 = arith.constant 0 : i32
    %dma_start3A_25 = tpu.memref_slice %arg2[%dma_start3A_23, %dma_start3A_24] : memref<8192x256xf32, #tpu.memory_space<hbm>> -> memref<8192x256xf32, #tpu.memory_space<hbm>>
    tpu.enqueue_indirect_dma source(%dma_start3A_25 : memref<8192x256xf32, #tpu.memory_space<hbm>>) target(%dma_start3A_19 : memref<64x256xf32, #tpu.memory_space<vmem>>) offsets(%dma_start3A_22 : memref<64xi32, #tpu.memory_space<vmem>>) semaphore(%arg8 : memref<!tpu.dma_semaphore, #tpu.memory_space<semaphore_mem>>)
    %dma_start3A_26 = arith.constant 2 : i32
    %dma_start3A_27 = arith.constant 2 : i32
    %dma_start3A_28 = arith.constant 0 : i32
    %dma_start3A_29 = arith.constant 0 : i32
    %dma_start3A_30 = tpu.memref_slice %arg6[%dma_start3A_27, %dma_start3A_28, %dma_start3A_29] : memref<6x64x256xf32, #tpu.memory_space<vmem>> -> memref<1x64x256xf32, #tpu.memory_space<vmem>>
    %dma_start3A_31 = tpu.memref_squeeze %dma_start3A_30 : memref<1x64x256xf32, #tpu.memory_space<vmem>> -> memref<64x256xf32, #tpu.memory_space<vmem>>
    %dma_start3A_32 = arith.constant 0 : i32
    %dma_start3A_33 = tpu.memref_slice %arg5[%dma_start3A_26, %dma_start3A_32] : memref<8x64xi32, #tpu.memory_space<vmem>> -> memref<1x64xi32, #tpu.memory_space<vmem>>
    %dma_start3A_34 = tpu.memref_squeeze %dma_start3A_33 : memref<1x64xi32, #tpu.memory_space<vmem>> -> memref<64xi32, #tpu.memory_space<vmem>>
    %dma_start3A_35 = arith.constant 0 : i32
    %dma_start3A_36 = arith.constant 0 : i32
    %dma_start3A_37 = tpu.memref_slice %arg2[%dma_start3A_35, %dma_start3A_36] : memref<8192x256xf32, #tpu.memory_space<hbm>> -> memref<8192x256xf32, #tpu.memory_space<hbm>>
    tpu.enqueue_indirect_dma source(%dma_start3A_37 : memref<8192x256xf32, #tpu.memory_space<hbm>>) target(%dma_start3A_31 : memref<64x256xf32, #tpu.memory_space<vmem>>) offsets(%dma_start3A_34 : memref<64xi32, #tpu.memory_space<vmem>>) semaphore(%arg9 : memref<!tpu.dma_semaphore, #tpu.memory_space<semaphore_mem>>)
    %dma_start3A_38 = arith.constant 3 : i32
    %dma_start3A_39 = arith.constant 3 : i32
    %dma_start3A_40 = arith.constant 0 : i32
    %dma_start3A_41 = arith.constant 0 : i32
    %dma_start3A_42 = tpu.memref_slice %arg6[%dma_start3A_39, %dma_start3A_40, %dma_start3A_41] : memref<6x64x256xf32, #tpu.memory_space<vmem>> -> memref<1x64x256xf32, #tpu.memory_space<vmem>>
    %dma_start3A_43 = tpu.memref_squeeze %dma_start3A_42 : memref<1x64x256xf32, #tpu.memory_space<vmem>> -> memref<64x256xf32, #tpu.memory_space<vmem>>
    %dma_start3A_44 = arith.constant 0 : i32
    %dma_start3A_45 = tpu.memref_slice %arg5[%dma_start3A_38, %dma_start3A_44] : memref<8x64xi32, #tpu.memory_space<vmem>> -> memref<1x64xi32, #tpu.memory_space<vmem>>
    %dma_start3A_46 = tpu.memref_squeeze %dma_start3A_45 : memref<1x64xi32, #tpu.memory_space<vmem>> -> memref<64xi32, #tpu.memory_space<vmem>>
    %dma_start3A_47 = arith.constant 0 : i32
    %dma_start3A_48 = arith.constant 0 : i32
    %dma_start3A_49 = tpu.memref_slice %arg2[%dma_start3A_47, %dma_start3A_48] : memref<8192x256xf32, #tpu.memory_space<hbm>> -> memref<8192x256xf32, #tpu.memory_space<hbm>>
    tpu.enqueue_indirect_dma source(%dma_start3A_49 : memref<8192x256xf32, #tpu.memory_space<hbm>>) target(%dma_start3A_43 : memref<64x256xf32, #tpu.memory_space<vmem>>) offsets(%dma_start3A_46 : memref<64xi32, #tpu.memory_space<vmem>>) semaphore(%arg10 : memref<!tpu.dma_semaphore, #tpu.memory_space<semaphore_mem>>)
    %dma_start3A_50 = arith.constant 4 : i32
    %dma_start3A_51 = arith.constant 4 : i32
    %dma_start3A_52 = arith.constant 0 : i32
    %dma_start3A_53 = arith.constant 0 : i32
    %dma_start3A_54 = tpu.memref_slice %arg6[%dma_start3A_51, %dma_start3A_52, %dma_start3A_53] : memref<6x64x256xf32, #tpu.memory_space<vmem>> -> memref<1x64x256xf32, #tpu.memory_space<vmem>>
    %dma_start3A_55 = tpu.memref_squeeze %dma_start3A_54 : memref<1x64x256xf32, #tpu.memory_space<vmem>> -> memref<64x256xf32, #tpu.memory_space<vmem>>
    %dma_start3A_56 = arith.constant 0 : i32
    %dma_start3A_57 = tpu.memref_slice %arg5[%dma_start3A_50, %dma_start3A_56] : memref<8x64xi32, #tpu.memory_space<vmem>> -> memref<1x64xi32, #tpu.memory_space<vmem>>
    %dma_start3A_58 = tpu.memref_squeeze %dma_start3A_57 : memref<1x64xi32, #tpu.memory_space<vmem>> -> memref<64xi32, #tpu.memory_space<vmem>>
    %dma_start3A_59 = arith.constant 0 : i32
    %dma_start3A_60 = arith.constant 0 : i32
    %dma_start3A_61 = tpu.memref_slice %arg2[%dma_start3A_59, %dma_start3A_60] : memref<8192x256xf32, #tpu.memory_space<hbm>> -> memref<8192x256xf32, #tpu.memory_space<hbm>>
    tpu.enqueue_indirect_dma source(%dma_start3A_61 : memref<8192x256xf32, #tpu.memory_space<hbm>>) target(%dma_start3A_55 : memref<64x256xf32, #tpu.memory_space<vmem>>) offsets(%dma_start3A_58 : memref<64xi32, #tpu.memory_space<vmem>>) semaphore(%arg11 : memref<!tpu.dma_semaphore, #tpu.memory_space<semaphore_mem>>)
    %dma_start3A_62 = arith.constant 5 : i32
    %dma_start3A_63 = arith.constant 5 : i32
    %dma_start3A_64 = arith.constant 0 : i32
    %dma_start3A_65 = arith.constant 0 : i32
    %dma_start3A_66 = tpu.memref_slice %arg6[%dma_start3A_63, %dma_start3A_64, %dma_start3A_65] : memref<6x64x256xf32, #tpu.memory_space<vmem>> -> memref<1x64x256xf32, #tpu.memory_space<vmem>>
    %dma_start3A_67 = tpu.memref_squeeze %dma_start3A_66 : memref<1x64x256xf32, #tpu.memory_space<vmem>> -> memref<64x256xf32, #tpu.memory_space<vmem>>
    %dma_start3A_68 = arith.constant 0 : i32
    %dma_start3A_69 = tpu.memref_slice %arg5[%dma_start3A_62, %dma_start3A_68] : memref<8x64xi32, #tpu.memory_space<vmem>> -> memref<1x64xi32, #tpu.memory_space<vmem>>
    %dma_start3A_70 = tpu.memref_squeeze %dma_start3A_69 : memref<1x64xi32, #tpu.memory_space<vmem>> -> memref<64xi32, #tpu.memory_space<vmem>>
    %dma_start3A_71 = arith.constant 0 : i32
    %dma_start3A_72 = arith.constant 0 : i32
    %dma_start3A_73 = tpu.memref_slice %arg2[%dma_start3A_71, %dma_start3A_72] : memref<8192x256xf32, #tpu.memory_space<hbm>> -> memref<8192x256xf32, #tpu.memory_space<hbm>>
    tpu.enqueue_indirect_dma source(%dma_start3A_73 : memref<8192x256xf32, #tpu.memory_space<hbm>>) target(%dma_start3A_67 : memref<64x256xf32, #tpu.memory_space<vmem>>) offsets(%dma_start3A_70 : memref<64xi32, #tpu.memory_space<vmem>>) semaphore(%arg12 : memref<!tpu.dma_semaphore, #tpu.memory_space<semaphore_mem>>)
    %dma_wait3A = arith.constant 0 : i32
    %dma_wait3A_74 = arith.constant 0 : i32
    %dma_wait3A_75 = arith.constant 0 : i32
    %dma_wait3A_76 = arith.constant 0 : i32
    %dma_wait3A_77 = tpu.memref_slice %arg6[%dma_wait3A_74, %dma_wait3A_75, %dma_wait3A_76] : memref<6x64x256xf32, #tpu.memory_space<vmem>> -> memref<1x64x256xf32, #tpu.memory_space<vmem>>
    %dma_wait3A_78 = tpu.memref_squeeze %dma_wait3A_77 : memref<1x64x256xf32, #tpu.memory_space<vmem>> -> memref<64x256xf32, #tpu.memory_space<vmem>>
    %dma_wait3A_79 = arith.constant 0 : i32
    %dma_wait3A_80 = tpu.memref_slice %arg5[%dma_wait3A, %dma_wait3A_79] : memref<8x64xi32, #tpu.memory_space<vmem>> -> memref<1x64xi32, #tpu.memory_space<vmem>>
    %dma_wait3A_81 = tpu.memref_squeeze %dma_wait3A_80 : memref<1x64xi32, #tpu.memory_space<vmem>> -> memref<64xi32, #tpu.memory_space<vmem>>
    %dma_wait3A_82 = arith.constant 0 : i32
    %dma_wait3A_83 = arith.constant 0 : i32
    %dma_wait3A_84 = tpu.memref_slice %arg2[%dma_wait3A_82, %dma_wait3A_83] : memref<8192x256xf32, #tpu.memory_space<hbm>> -> memref<8192x256xf32, #tpu.memory_space<hbm>>
    tpu.wait_indirect_dma semaphore(%arg7 : memref<!tpu.dma_semaphore, #tpu.memory_space<semaphore_mem>>) src(%dma_wait3A_84 : memref<8192x256xf32, #tpu.memory_space<hbm>>) dst(%dma_wait3A_78 : memref<64x256xf32, #tpu.memory_space<vmem>>)
    %add3A_85 = arith.constant 0 : i32
    %add3A_86 = arith.addi %mul3A_2, %add3A_85 : i32
    %dma_start3A_87 = arith.constant 0 : i32
    %dma_start3A_88 = arith.constant 0 : i32
    %dma_start3A_89 = arith.constant 0 : i32
    %dma_start3A_90 = tpu.memref_slice %arg6[%dma_start3A_87, %dma_start3A_88, %dma_start3A_89] : memref<6x64x256xf32, #tpu.memory_space<vmem>> -> memref<1x64x256xf32, #tpu.memory_space<vmem>>
    %dma_start3A_91 = tpu.memref_squeeze %dma_start3A_90 : memref<1x64x256xf32, #tpu.memory_space<vmem>> -> memref<64x256xf32, #tpu.memory_space<vmem>>
    %dma_start3A_92 = arith.constant 0 : i32
    %dma_start3A_93 = tpu.memref_slice %arg4[%add3A_86, %dma_start3A_92] : memref<16384x256xf32, #tpu.memory_space<hbm>> -> memref<64x256xf32, #tpu.memory_space<hbm>>
    %dma_start3A_94 = arith.constant 0 : i32
    %dma_start3A_95 = tpu.memref_slice %arg4[%add3A_86, %dma_start3A_94] : memref<16384x256xf32, #tpu.memory_space<hbm>> -> memref<64x256xf32, #tpu.memory_space<hbm>>
    %dma_start3A_96 = arith.constant 0 : i32
    %dma_start3A_97 = arith.constant 0 : i32
    %dma_start3A_98 = tpu.memref_slice %arg6[%dma_start3A_87, %dma_start3A_96, %dma_start3A_97] : memref<6x64x256xf32, #tpu.memory_space<vmem>> -> memref<1x64x256xf32, #tpu.memory_space<vmem>>
    %dma_start3A_99 = tpu.memref_squeeze %dma_start3A_98 : memref<1x64x256xf32, #tpu.memory_space<vmem>> -> memref<64x256xf32, #tpu.memory_space<vmem>>
    tpu.enqueue_dma source(%dma_start3A_99 : memref<64x256xf32, #tpu.memory_space<vmem>>) target(%dma_start3A_95 : memref<64x256xf32, #tpu.memory_space<hbm>>) target_semaphore(%arg13 : memref<!tpu.dma_semaphore, #tpu.memory_space<semaphore_mem>>)
    %dma_wait3A_100 = arith.constant 1 : i32
    %dma_wait3A_101 = arith.constant 1 : i32
    %dma_wait3A_102 = arith.constant 0 : i32
    %dma_wait3A_103 = arith.constant 0 : i32
    %dma_wait3A_104 = tpu.memref_slice %arg6[%dma_wait3A_101, %dma_wait3A_102, %dma_wait3A_103] : memref<6x64x256xf32, #tpu.memory_space<vmem>> -> memref<1x64x256xf32, #tpu.memory_space<vmem>>
    %dma_wait3A_105 = tpu.memref_squeeze %dma_wait3A_104 : memref<1x64x256xf32, #tpu.memory_space<vmem>> -> memref<64x256xf32, #tpu.memory_space<vmem>>
    %dma_wait3A_106 = arith.constant 0 : i32
    %dma_wait3A_107 = tpu.memref_slice %arg5[%dma_wait3A_100, %dma_wait3A_106] : memref<8x64xi32, #tpu.memory_space<vmem>> -> memref<1x64xi32, #tpu.memory_space<vmem>>
    %dma_wait3A_108 = tpu.memref_squeeze %dma_wait3A_107 : memref<1x64xi32, #tpu.memory_space<vmem>> -> memref<64xi32, #tpu.memory_space<vmem>>
    %dma_wait3A_109 = arith.constant 0 : i32
    %dma_wait3A_110 = arith.constant 0 : i32
    %dma_wait3A_111 = tpu.memref_slice %arg2[%dma_wait3A_109, %dma_wait3A_110] : memref<8192x256xf32, #tpu.memory_space<hbm>> -> memref<8192x256xf32, #tpu.memory_space<hbm>>
    tpu.wait_indirect_dma semaphore(%arg8 : memref<!tpu.dma_semaphore, #tpu.memory_space<semaphore_mem>>) src(%dma_wait3A_111 : memref<8192x256xf32, #tpu.memory_space<hbm>>) dst(%dma_wait3A_105 : memref<64x256xf32, #tpu.memory_space<vmem>>)
    %add3A_112 = arith.constant 64 : i32
    %add3A_113 = arith.addi %mul3A_2, %add3A_112 : i32
    %dma_start3A_114 = arith.constant 1 : i32
    %dma_start3A_115 = arith.constant 0 : i32
    %dma_start3A_116 = arith.constant 0 : i32
    %dma_start3A_117 = tpu.memref_slice %arg6[%dma_start3A_114, %dma_start3A_115, %dma_start3A_116] : memref<6x64x256xf32, #tpu.memory_space<vmem>> -> memref<1x64x256xf32, #tpu.memory_space<vmem>>
    %dma_start3A_118 = tpu.memref_squeeze %dma_start3A_117 : memref<1x64x256xf32, #tpu.memory_space<vmem>> -> memref<64x256xf32, #tpu.memory_space<vmem>>
    %dma_start3A_119 = arith.constant 0 : i32
    %dma_start3A_120 = tpu.memref_slice %arg4[%add3A_113, %dma_start3A_119] : memref<16384x256xf32, #tpu.memory_space<hbm>> -> memref<64x256xf32, #tpu.memory_space<hbm>>
    %dma_start3A_121 = arith.constant 0 : i32
    %dma_start3A_122 = tpu.memref_slice %arg4[%add3A_113, %dma_start3A_121] : memref<16384x256xf32, #tpu.memory_space<hbm>> -> memref<64x256xf32, #tpu.memory_space<hbm>>
    %dma_start3A_123 = arith.constant 0 : i32
    %dma_start3A_124 = arith.constant 0 : i32
    %dma_start3A_125 = tpu.memref_slice %arg6[%dma_start3A_114, %dma_start3A_123, %dma_start3A_124] : memref<6x64x256xf32, #tpu.memory_space<vmem>> -> memref<1x64x256xf32, #tpu.memory_space<vmem>>
    %dma_start3A_126 = tpu.memref_squeeze %dma_start3A_125 : memref<1x64x256xf32, #tpu.memory_space<vmem>> -> memref<64x256xf32, #tpu.memory_space<vmem>>
    tpu.enqueue_dma source(%dma_start3A_126 : memref<64x256xf32, #tpu.memory_space<vmem>>) target(%dma_start3A_122 : memref<64x256xf32, #tpu.memory_space<hbm>>) target_semaphore(%arg14 : memref<!tpu.dma_semaphore, #tpu.memory_space<semaphore_mem>>)
    %dma_wait3A_127 = arith.constant 2 : i32
    %dma_wait3A_128 = arith.constant 2 : i32
    %dma_wait3A_129 = arith.constant 0 : i32
    %dma_wait3A_130 = arith.constant 0 : i32
    %dma_wait3A_131 = tpu.memref_slice %arg6[%dma_wait3A_128, %dma_wait3A_129, %dma_wait3A_130] : memref<6x64x256xf32, #tpu.memory_space<vmem>> -> memref<1x64x256xf32, #tpu.memory_space<vmem>>
    %dma_wait3A_132 = tpu.memref_squeeze %dma_wait3A_131 : memref<1x64x256xf32, #tpu.memory_space<vmem>> -> memref<64x256xf32, #tpu.memory_space<vmem>>
    %dma_wait3A_133 = arith.constant 0 : i32
    %dma_wait3A_134 = tpu.memref_slice %arg5[%dma_wait3A_127, %dma_wait3A_133] : memref<8x64xi32, #tpu.memory_space<vmem>> -> memref<1x64xi32, #tpu.memory_space<vmem>>
    %dma_wait3A_135 = tpu.memref_squeeze %dma_wait3A_134 : memref<1x64xi32, #tpu.memory_space<vmem>> -> memref<64xi32, #tpu.memory_space<vmem>>
    %dma_wait3A_136 = arith.constant 0 : i32
    %dma_wait3A_137 = arith.constant 0 : i32
    %dma_wait3A_138 = tpu.memref_slice %arg2[%dma_wait3A_136, %dma_wait3A_137] : memref<8192x256xf32, #tpu.memory_space<hbm>> -> memref<8192x256xf32, #tpu.memory_space<hbm>>
    tpu.wait_indirect_dma semaphore(%arg9 : memref<!tpu.dma_semaphore, #tpu.memory_space<semaphore_mem>>) src(%dma_wait3A_138 : memref<8192x256xf32, #tpu.memory_space<hbm>>) dst(%dma_wait3A_132 : memref<64x256xf32, #tpu.memory_space<vmem>>)
    %add3A_139 = arith.constant 128 : i32
    %add3A_140 = arith.addi %mul3A_2, %add3A_139 : i32
    %dma_start3A_141 = arith.constant 2 : i32
    %dma_start3A_142 = arith.constant 0 : i32
    %dma_start3A_143 = arith.constant 0 : i32
    %dma_start3A_144 = tpu.memref_slice %arg6[%dma_start3A_141, %dma_start3A_142, %dma_start3A_143] : memref<6x64x256xf32, #tpu.memory_space<vmem>> -> memref<1x64x256xf32, #tpu.memory_space<vmem>>
    %dma_start3A_145 = tpu.memref_squeeze %dma_start3A_144 : memref<1x64x256xf32, #tpu.memory_space<vmem>> -> memref<64x256xf32, #tpu.memory_space<vmem>>
    %dma_start3A_146 = arith.constant 0 : i32
    %dma_start3A_147 = tpu.memref_slice %arg4[%add3A_140, %dma_start3A_146] : memref<16384x256xf32, #tpu.memory_space<hbm>> -> memref<64x256xf32, #tpu.memory_space<hbm>>
    %dma_start3A_148 = arith.constant 0 : i32
    %dma_start3A_149 = tpu.memref_slice %arg4[%add3A_140, %dma_start3A_148] : memref<16384x256xf32, #tpu.memory_space<hbm>> -> memref<64x256xf32, #tpu.memory_space<hbm>>
    %dma_start3A_150 = arith.constant 0 : i32
    %dma_start3A_151 = arith.constant 0 : i32
    %dma_start3A_152 = tpu.memref_slice %arg6[%dma_start3A_141, %dma_start3A_150, %dma_start3A_151] : memref<6x64x256xf32, #tpu.memory_space<vmem>> -> memref<1x64x256xf32, #tpu.memory_space<vmem>>
    %dma_start3A_153 = tpu.memref_squeeze %dma_start3A_152 : memref<1x64x256xf32, #tpu.memory_space<vmem>> -> memref<64x256xf32, #tpu.memory_space<vmem>>
    tpu.enqueue_dma source(%dma_start3A_153 : memref<64x256xf32, #tpu.memory_space<vmem>>) target(%dma_start3A_149 : memref<64x256xf32, #tpu.memory_space<hbm>>) target_semaphore(%arg15 : memref<!tpu.dma_semaphore, #tpu.memory_space<semaphore_mem>>)
    %dma_wait3A_154 = arith.constant 3 : i32
    %dma_wait3A_155 = arith.constant 3 : i32
    %dma_wait3A_156 = arith.constant 0 : i32
    %dma_wait3A_157 = arith.constant 0 : i32
    %dma_wait3A_158 = tpu.memref_slice %arg6[%dma_wait3A_155, %dma_wait3A_156, %dma_wait3A_157] : memref<6x64x256xf32, #tpu.memory_space<vmem>> -> memref<1x64x256xf32, #tpu.memory_space<vmem>>
    %dma_wait3A_159 = tpu.memref_squeeze %dma_wait3A_158 : memref<1x64x256xf32, #tpu.memory_space<vmem>> -> memref<64x256xf32, #tpu.memory_space<vmem>>
    %dma_wait3A_160 = arith.constant 0 : i32
    %dma_wait3A_161 = tpu.memref_slice %arg5[%dma_wait3A_154, %dma_wait3A_160] : memref<8x64xi32, #tpu.memory_space<vmem>> -> memref<1x64xi32, #tpu.memory_space<vmem>>
    %dma_wait3A_162 = tpu.memref_squeeze %dma_wait3A_161 : memref<1x64xi32, #tpu.memory_space<vmem>> -> memref<64xi32, #tpu.memory_space<vmem>>
    %dma_wait3A_163 = arith.constant 0 : i32
    %dma_wait3A_164 = arith.constant 0 : i32
    %dma_wait3A_165 = tpu.memref_slice %arg2[%dma_wait3A_163, %dma_wait3A_164] : memref<8192x256xf32, #tpu.memory_space<hbm>> -> memref<8192x256xf32, #tpu.memory_space<hbm>>
    tpu.wait_indirect_dma semaphore(%arg10 : memref<!tpu.dma_semaphore, #tpu.memory_space<semaphore_mem>>) src(%dma_wait3A_165 : memref<8192x256xf32, #tpu.memory_space<hbm>>) dst(%dma_wait3A_159 : memref<64x256xf32, #tpu.memory_space<vmem>>)
    %add3A_166 = arith.constant 192 : i32
    %add3A_167 = arith.addi %mul3A_2, %add3A_166 : i32
    %dma_start3A_168 = arith.constant 3 : i32
    %dma_start3A_169 = arith.constant 0 : i32
    %dma_start3A_170 = arith.constant 0 : i32
    %dma_start3A_171 = tpu.memref_slice %arg6[%dma_start3A_168, %dma_start3A_169, %dma_start3A_170] : memref<6x64x256xf32, #tpu.memory_space<vmem>> -> memref<1x64x256xf32, #tpu.memory_space<vmem>>
    %dma_start3A_172 = tpu.memref_squeeze %dma_start3A_171 : memref<1x64x256xf32, #tpu.memory_space<vmem>> -> memref<64x256xf32, #tpu.memory_space<vmem>>
    %dma_start3A_173 = arith.constant 0 : i32
    %dma_start3A_174 = tpu.memref_slice %arg4[%add3A_167, %dma_start3A_173] : memref<16384x256xf32, #tpu.memory_space<hbm>> -> memref<64x256xf32, #tpu.memory_space<hbm>>
    %dma_start3A_175 = arith.constant 0 : i32
    %dma_start3A_176 = tpu.memref_slice %arg4[%add3A_167, %dma_start3A_175] : memref<16384x256xf32, #tpu.memory_space<hbm>> -> memref<64x256xf32, #tpu.memory_space<hbm>>
    %dma_start3A_177 = arith.constant 0 : i32
    %dma_start3A_178 = arith.constant 0 : i32
    %dma_start3A_179 = tpu.memref_slice %arg6[%dma_start3A_168, %dma_start3A_177, %dma_start3A_178] : memref<6x64x256xf32, #tpu.memory_space<vmem>> -> memref<1x64x256xf32, #tpu.memory_space<vmem>>
    %dma_start3A_180 = tpu.memref_squeeze %dma_start3A_179 : memref<1x64x256xf32, #tpu.memory_space<vmem>> -> memref<64x256xf32, #tpu.memory_space<vmem>>
    tpu.enqueue_dma source(%dma_start3A_180 : memref<64x256xf32, #tpu.memory_space<vmem>>) target(%dma_start3A_176 : memref<64x256xf32, #tpu.memory_space<hbm>>) target_semaphore(%arg16 : memref<!tpu.dma_semaphore, #tpu.memory_space<semaphore_mem>>)
    %dma_wait3A_181 = arith.constant 4 : i32
    %dma_wait3A_182 = arith.constant 4 : i32
    %dma_wait3A_183 = arith.constant 0 : i32
    %dma_wait3A_184 = arith.constant 0 : i32
    %dma_wait3A_185 = tpu.memref_slice %arg6[%dma_wait3A_182, %dma_wait3A_183, %dma_wait3A_184] : memref<6x64x256xf32, #tpu.memory_space<vmem>> -> memref<1x64x256xf32, #tpu.memory_space<vmem>>
    %dma_wait3A_186 = tpu.memref_squeeze %dma_wait3A_185 : memref<1x64x256xf32, #tpu.memory_space<vmem>> -> memref<64x256xf32, #tpu.memory_space<vmem>>
    %dma_wait3A_187 = arith.constant 0 : i32
    %dma_wait3A_188 = tpu.memref_slice %arg5[%dma_wait3A_181, %dma_wait3A_187] : memref<8x64xi32, #tpu.memory_space<vmem>> -> memref<1x64xi32, #tpu.memory_space<vmem>>
    %dma_wait3A_189 = tpu.memref_squeeze %dma_wait3A_188 : memref<1x64xi32, #tpu.memory_space<vmem>> -> memref<64xi32, #tpu.memory_space<vmem>>
    %dma_wait3A_190 = arith.constant 0 : i32
    %dma_wait3A_191 = arith.constant 0 : i32
    %dma_wait3A_192 = tpu.memref_slice %arg2[%dma_wait3A_190, %dma_wait3A_191] : memref<8192x256xf32, #tpu.memory_space<hbm>> -> memref<8192x256xf32, #tpu.memory_space<hbm>>
    tpu.wait_indirect_dma semaphore(%arg11 : memref<!tpu.dma_semaphore, #tpu.memory_space<semaphore_mem>>) src(%dma_wait3A_192 : memref<8192x256xf32, #tpu.memory_space<hbm>>) dst(%dma_wait3A_186 : memref<64x256xf32, #tpu.memory_space<vmem>>)
    %add3A_193 = arith.constant 256 : i32
    %add3A_194 = arith.addi %mul3A_2, %add3A_193 : i32
    %dma_start3A_195 = arith.constant 4 : i32
    %dma_start3A_196 = arith.constant 0 : i32
    %dma_start3A_197 = arith.constant 0 : i32
    %dma_start3A_198 = tpu.memref_slice %arg6[%dma_start3A_195, %dma_start3A_196, %dma_start3A_197] : memref<6x64x256xf32, #tpu.memory_space<vmem>> -> memref<1x64x256xf32, #tpu.memory_space<vmem>>
    %dma_start3A_199 = tpu.memref_squeeze %dma_start3A_198 : memref<1x64x256xf32, #tpu.memory_space<vmem>> -> memref<64x256xf32, #tpu.memory_space<vmem>>
    %dma_start3A_200 = arith.constant 0 : i32
    %dma_start3A_201 = tpu.memref_slice %arg4[%add3A_194, %dma_start3A_200] : memref<16384x256xf32, #tpu.memory_space<hbm>> -> memref<64x256xf32, #tpu.memory_space<hbm>>
    %dma_start3A_202 = arith.constant 0 : i32
    %dma_start3A_203 = tpu.memref_slice %arg4[%add3A_194, %dma_start3A_202] : memref<16384x256xf32, #tpu.memory_space<hbm>> -> memref<64x256xf32, #tpu.memory_space<hbm>>
    %dma_start3A_204 = arith.constant 0 : i32
    %dma_start3A_205 = arith.constant 0 : i32
    %dma_start3A_206 = tpu.memref_slice %arg6[%dma_start3A_195, %dma_start3A_204, %dma_start3A_205] : memref<6x64x256xf32, #tpu.memory_space<vmem>> -> memref<1x64x256xf32, #tpu.memory_space<vmem>>
    %dma_start3A_207 = tpu.memref_squeeze %dma_start3A_206 : memref<1x64x256xf32, #tpu.memory_space<vmem>> -> memref<64x256xf32, #tpu.memory_space<vmem>>
    tpu.enqueue_dma source(%dma_start3A_207 : memref<64x256xf32, #tpu.memory_space<vmem>>) target(%dma_start3A_203 : memref<64x256xf32, #tpu.memory_space<hbm>>) target_semaphore(%arg17 : memref<!tpu.dma_semaphore, #tpu.memory_space<semaphore_mem>>)
    %dma_wait3A_208 = arith.constant 5 : i32
    %dma_wait3A_209 = arith.constant 5 : i32
    %dma_wait3A_210 = arith.constant 0 : i32
    %dma_wait3A_211 = arith.constant 0 : i32
    %dma_wait3A_212 = tpu.memref_slice %arg6[%dma_wait3A_209, %dma_wait3A_210, %dma_wait3A_211] : memref<6x64x256xf32, #tpu.memory_space<vmem>> -> memref<1x64x256xf32, #tpu.memory_space<vmem>>
    %dma_wait3A_213 = tpu.memref_squeeze %dma_wait3A_212 : memref<1x64x256xf32, #tpu.memory_space<vmem>> -> memref<64x256xf32, #tpu.memory_space<vmem>>
    %dma_wait3A_214 = arith.constant 0 : i32
    %dma_wait3A_215 = tpu.memref_slice %arg5[%dma_wait3A_208, %dma_wait3A_214] : memref<8x64xi32, #tpu.memory_space<vmem>> -> memref<1x64xi32, #tpu.memory_space<vmem>>
    %dma_wait3A_216 = tpu.memref_squeeze %dma_wait3A_215 : memref<1x64xi32, #tpu.memory_space<vmem>> -> memref<64xi32, #tpu.memory_space<vmem>>
    %dma_wait3A_217 = arith.constant 0 : i32
    %dma_wait3A_218 = arith.constant 0 : i32
    %dma_wait3A_219 = tpu.memref_slice %arg2[%dma_wait3A_217, %dma_wait3A_218] : memref<8192x256xf32, #tpu.memory_space<hbm>> -> memref<8192x256xf32, #tpu.memory_space<hbm>>
    tpu.wait_indirect_dma semaphore(%arg12 : memref<!tpu.dma_semaphore, #tpu.memory_space<semaphore_mem>>) src(%dma_wait3A_219 : memref<8192x256xf32, #tpu.memory_space<hbm>>) dst(%dma_wait3A_213 : memref<64x256xf32, #tpu.memory_space<vmem>>)
    %add3A_220 = arith.constant 320 : i32
    %add3A_221 = arith.addi %mul3A_2, %add3A_220 : i32
    %dma_start3A_222 = arith.constant 5 : i32
    %dma_start3A_223 = arith.constant 0 : i32
    %dma_start3A_224 = arith.constant 0 : i32
    %dma_start3A_225 = tpu.memref_slice %arg6[%dma_start3A_222, %dma_start3A_223, %dma_start3A_224] : memref<6x64x256xf32, #tpu.memory_space<vmem>> -> memref<1x64x256xf32, #tpu.memory_space<vmem>>
    %dma_start3A_226 = tpu.memref_squeeze %dma_start3A_225 : memref<1x64x256xf32, #tpu.memory_space<vmem>> -> memref<64x256xf32, #tpu.memory_space<vmem>>
    %dma_start3A_227 = arith.constant 0 : i32
    %dma_start3A_228 = tpu.memref_slice %arg4[%add3A_221, %dma_start3A_227] : memref<16384x256xf32, #tpu.memory_space<hbm>> -> memref<64x256xf32, #tpu.memory_space<hbm>>
    %dma_start3A_229 = arith.constant 0 : i32
    %dma_start3A_230 = tpu.memref_slice %arg4[%add3A_221, %dma_start3A_229] : memref<16384x256xf32, #tpu.memory_space<hbm>> -> memref<64x256xf32, #tpu.memory_space<hbm>>
    %dma_start3A_231 = arith.constant 0 : i32
    %dma_start3A_232 = arith.constant 0 : i32
    %dma_start3A_233 = tpu.memref_slice %arg6[%dma_start3A_222, %dma_start3A_231, %dma_start3A_232] : memref<6x64x256xf32, #tpu.memory_space<vmem>> -> memref<1x64x256xf32, #tpu.memory_space<vmem>>
    %dma_start3A_234 = tpu.memref_squeeze %dma_start3A_233 : memref<1x64x256xf32, #tpu.memory_space<vmem>> -> memref<64x256xf32, #tpu.memory_space<vmem>>
    tpu.enqueue_dma source(%dma_start3A_234 : memref<64x256xf32, #tpu.memory_space<vmem>>) target(%dma_start3A_230 : memref<64x256xf32, #tpu.memory_space<hbm>>) target_semaphore(%arg18 : memref<!tpu.dma_semaphore, #tpu.memory_space<semaphore_mem>>)
    %dma_wait3A_235 = arith.constant 0 : i32
    %dma_wait3A_236 = arith.constant 0 : i32
    %dma_wait3A_237 = arith.constant 0 : i32
    %dma_wait3A_238 = tpu.memref_slice %arg6[%dma_wait3A_235, %dma_wait3A_236, %dma_wait3A_237] : memref<6x64x256xf32, #tpu.memory_space<vmem>> -> memref<1x64x256xf32, #tpu.memory_space<vmem>>
    %dma_wait3A_239 = tpu.memref_squeeze %dma_wait3A_238 : memref<1x64x256xf32, #tpu.memory_space<vmem>> -> memref<64x256xf32, #tpu.memory_space<vmem>>
    %dma_wait3A_240 = arith.constant 0 : i32
    %dma_wait3A_241 = tpu.memref_slice %arg4[%add3A_86, %dma_wait3A_240] : memref<16384x256xf32, #tpu.memory_space<hbm>> -> memref<64x256xf32, #tpu.memory_space<hbm>>
    %dma_wait3A_242 = arith.constant 0 : i32
    %dma_wait3A_243 = tpu.memref_slice %arg4[%add3A_86, %dma_wait3A_242] : memref<16384x256xf32, #tpu.memory_space<hbm>> -> memref<64x256xf32, #tpu.memory_space<hbm>>
    %dma_wait3A_244 = arith.constant 0 : i32
    %dma_wait3A_245 = arith.constant 0 : i32
    %dma_wait3A_246 = tpu.memref_slice %arg6[%dma_wait3A_235, %dma_wait3A_244, %dma_wait3A_245] : memref<6x64x256xf32, #tpu.memory_space<vmem>> -> memref<1x64x256xf32, #tpu.memory_space<vmem>>
    %dma_wait3A_247 = tpu.memref_squeeze %dma_wait3A_246 : memref<1x64x256xf32, #tpu.memory_space<vmem>> -> memref<64x256xf32, #tpu.memory_space<vmem>>
    tpu.wait_dma2 semaphore(%arg13 : memref<!tpu.dma_semaphore, #tpu.memory_space<semaphore_mem>>) src(%dma_wait3A_247 : memref<64x256xf32, #tpu.memory_space<vmem>>) dst(%dma_wait3A_243 : memref<64x256xf32, #tpu.memory_space<hbm>>)
    %dma_start3A_248 = arith.constant 6 : i32
    %dma_start3A_249 = arith.constant 0 : i32
    %dma_start3A_250 = arith.constant 0 : i32
    %dma_start3A_251 = arith.constant 0 : i32
    %dma_start3A_252 = tpu.memref_slice %arg6[%dma_start3A_249, %dma_start3A_250, %dma_start3A_251] : memref<6x64x256xf32, #tpu.memory_space<vmem>> -> memref<1x64x256xf32, #tpu.memory_space<vmem>>
    %dma_start3A_253 = tpu.memref_squeeze %dma_start3A_252 : memref<1x64x256xf32, #tpu.memory_space<vmem>> -> memref<64x256xf32, #tpu.memory_space<vmem>>
    %dma_start3A_254 = arith.constant 0 : i32
    %dma_start3A_255 = tpu.memref_slice %arg5[%dma_start3A_248, %dma_start3A_254] : memref<8x64xi32, #tpu.memory_space<vmem>> -> memref<1x64xi32, #tpu.memory_space<vmem>>
    %dma_start3A_256 = tpu.memref_squeeze %dma_start3A_255 : memref<1x64xi32, #tpu.memory_space<vmem>> -> memref<64xi32, #tpu.memory_space<vmem>>
    %dma_start3A_257 = arith.constant 0 : i32
    %dma_start3A_258 = arith.constant 0 : i32
    %dma_start3A_259 = tpu.memref_slice %arg2[%dma_start3A_257, %dma_start3A_258] : memref<8192x256xf32, #tpu.memory_space<hbm>> -> memref<8192x256xf32, #tpu.memory_space<hbm>>
    tpu.enqueue_indirect_dma source(%dma_start3A_259 : memref<8192x256xf32, #tpu.memory_space<hbm>>) target(%dma_start3A_253 : memref<64x256xf32, #tpu.memory_space<vmem>>) offsets(%dma_start3A_256 : memref<64xi32, #tpu.memory_space<vmem>>) semaphore(%arg7 : memref<!tpu.dma_semaphore, #tpu.memory_space<semaphore_mem>>)
    %dma_wait3A_260 = arith.constant 6 : i32
    %dma_wait3A_261 = arith.constant 0 : i32
    %dma_wait3A_262 = arith.constant 0 : i32
    %dma_wait3A_263 = arith.constant 0 : i32
    %dma_wait3A_264 = tpu.memref_slice %arg6[%dma_wait3A_261, %dma_wait3A_262, %dma_wait3A_263] : memref<6x64x256xf32, #tpu.memory_space<vmem>> -> memref<1x64x256xf32, #tpu.memory_space<vmem>>
    %dma_wait3A_265 = tpu.memref_squeeze %dma_wait3A_264 : memref<1x64x256xf32, #tpu.memory_space<vmem>> -> memref<64x256xf32, #tpu.memory_space<vmem>>
    %dma_wait3A_266 = arith.constant 0 : i32
    %dma_wait3A_267 = tpu.memref_slice %arg5[%dma_wait3A_260, %dma_wait3A_266] : memref<8x64xi32, #tpu.memory_space<vmem>> -> memref<1x64xi32, #tpu.memory_space<vmem>>
    %dma_wait3A_268 = tpu.memref_squeeze %dma_wait3A_267 : memref<1x64xi32, #tpu.memory_space<vmem>> -> memref<64xi32, #tpu.memory_space<vmem>>
    %dma_wait3A_269 = arith.constant 0 : i32
    %dma_wait3A_270 = arith.constant 0 : i32
    %dma_wait3A_271 = tpu.memref_slice %arg2[%dma_wait3A_269, %dma_wait3A_270] : memref<8192x256xf32, #tpu.memory_space<hbm>> -> memref<8192x256xf32, #tpu.memory_space<hbm>>
    tpu.wait_indirect_dma semaphore(%arg7 : memref<!tpu.dma_semaphore, #tpu.memory_space<semaphore_mem>>) src(%dma_wait3A_271 : memref<8192x256xf32, #tpu.memory_space<hbm>>) dst(%dma_wait3A_265 : memref<64x256xf32, #tpu.memory_space<vmem>>)
    %add3A_272 = arith.constant 384 : i32
    %add3A_273 = arith.addi %mul3A_2, %add3A_272 : i32
    %dma_start3A_274 = arith.constant 0 : i32
    %dma_start3A_275 = arith.constant 0 : i32
    %dma_start3A_276 = arith.constant 0 : i32
    %dma_start3A_277 = tpu.memref_slice %arg6[%dma_start3A_274, %dma_start3A_275, %dma_start3A_276] : memref<6x64x256xf32, #tpu.memory_space<vmem>> -> memref<1x64x256xf32, #tpu.memory_space<vmem>>
    %dma_start3A_278 = tpu.memref_squeeze %dma_start3A_277 : memref<1x64x256xf32, #tpu.memory_space<vmem>> -> memref<64x256xf32, #tpu.memory_space<vmem>>
    %dma_start3A_279 = arith.constant 0 : i32
    %dma_start3A_280 = tpu.memref_slice %arg4[%add3A_273, %dma_start3A_279] : memref<16384x256xf32, #tpu.memory_space<hbm>> -> memref<64x256xf32, #tpu.memory_space<hbm>>
    %dma_start3A_281 = arith.constant 0 : i32
    %dma_start3A_282 = tpu.memref_slice %arg4[%add3A_273, %dma_start3A_281] : memref<16384x256xf32, #tpu.memory_space<hbm>> -> memref<64x256xf32, #tpu.memory_space<hbm>>
    %dma_start3A_283 = arith.constant 0 : i32
    %dma_start3A_284 = arith.constant 0 : i32
    %dma_start3A_285 = tpu.memref_slice %arg6[%dma_start3A_274, %dma_start3A_283, %dma_start3A_284] : memref<6x64x256xf32, #tpu.memory_space<vmem>> -> memref<1x64x256xf32, #tpu.memory_space<vmem>>
    %dma_start3A_286 = tpu.memref_squeeze %dma_start3A_285 : memref<1x64x256xf32, #tpu.memory_space<vmem>> -> memref<64x256xf32, #tpu.memory_space<vmem>>
    tpu.enqueue_dma source(%dma_start3A_286 : memref<64x256xf32, #tpu.memory_space<vmem>>) target(%dma_start3A_282 : memref<64x256xf32, #tpu.memory_space<hbm>>) target_semaphore(%arg13 : memref<!tpu.dma_semaphore, #tpu.memory_space<semaphore_mem>>)
    %dma_wait3A_287 = arith.constant 1 : i32
    %dma_wait3A_288 = arith.constant 0 : i32
    %dma_wait3A_289 = arith.constant 0 : i32
    %dma_wait3A_290 = tpu.memref_slice %arg6[%dma_wait3A_287, %dma_wait3A_288, %dma_wait3A_289] : memref<6x64x256xf32, #tpu.memory_space<vmem>> -> memref<1x64x256xf32, #tpu.memory_space<vmem>>
    %dma_wait3A_291 = tpu.memref_squeeze %dma_wait3A_290 : memref<1x64x256xf32, #tpu.memory_space<vmem>> -> memref<64x256xf32, #tpu.memory_space<vmem>>
    %dma_wait3A_292 = arith.constant 0 : i32
    %dma_wait3A_293 = tpu.memref_slice %arg4[%add3A_113, %dma_wait3A_292] : memref<16384x256xf32, #tpu.memory_space<hbm>> -> memref<64x256xf32, #tpu.memory_space<hbm>>
    %dma_wait3A_294 = arith.constant 0 : i32
    %dma_wait3A_295 = tpu.memref_slice %arg4[%add3A_113, %dma_wait3A_294] : memref<16384x256xf32, #tpu.memory_space<hbm>> -> memref<64x256xf32, #tpu.memory_space<hbm>>
    %dma_wait3A_296 = arith.constant 0 : i32
    %dma_wait3A_297 = arith.constant 0 : i32
    %dma_wait3A_298 = tpu.memref_slice %arg6[%dma_wait3A_287, %dma_wait3A_296, %dma_wait3A_297] : memref<6x64x256xf32, #tpu.memory_space<vmem>> -> memref<1x64x256xf32, #tpu.memory_space<vmem>>
    %dma_wait3A_299 = tpu.memref_squeeze %dma_wait3A_298 : memref<1x64x256xf32, #tpu.memory_space<vmem>> -> memref<64x256xf32, #tpu.memory_space<vmem>>
    tpu.wait_dma2 semaphore(%arg14 : memref<!tpu.dma_semaphore, #tpu.memory_space<semaphore_mem>>) src(%dma_wait3A_299 : memref<64x256xf32, #tpu.memory_space<vmem>>) dst(%dma_wait3A_295 : memref<64x256xf32, #tpu.memory_space<hbm>>)
    %dma_start3A_300 = arith.constant 7 : i32
    %dma_start3A_301 = arith.constant 1 : i32
    %dma_start3A_302 = arith.constant 0 : i32
    %dma_start3A_303 = arith.constant 0 : i32
    %dma_start3A_304 = tpu.memref_slice %arg6[%dma_start3A_301, %dma_start3A_302, %dma_start3A_303] : memref<6x64x256xf32, #tpu.memory_space<vmem>> -> memref<1x64x256xf32, #tpu.memory_space<vmem>>
    %dma_start3A_305 = tpu.memref_squeeze %dma_start3A_304 : memref<1x64x256xf32, #tpu.memory_space<vmem>> -> memref<64x256xf32, #tpu.memory_space<vmem>>
    %dma_start3A_306 = arith.constant 0 : i32
    %dma_start3A_307 = tpu.memref_slice %arg5[%dma_start3A_300, %dma_start3A_306] : memref<8x64xi32, #tpu.memory_space<vmem>> -> memref<1x64xi32, #tpu.memory_space<vmem>>
    %dma_start3A_308 = tpu.memref_squeeze %dma_start3A_307 : memref<1x64xi32, #tpu.memory_space<vmem>> -> memref<64xi32, #tpu.memory_space<vmem>>
    %dma_start3A_309 = arith.constant 0 : i32
    %dma_start3A_310 = arith.constant 0 : i32
    %dma_start3A_311 = tpu.memref_slice %arg2[%dma_start3A_309, %dma_start3A_310] : memref<8192x256xf32, #tpu.memory_space<hbm>> -> memref<8192x256xf32, #tpu.memory_space<hbm>>
    tpu.enqueue_indirect_dma source(%dma_start3A_311 : memref<8192x256xf32, #tpu.memory_space<hbm>>) target(%dma_start3A_305 : memref<64x256xf32, #tpu.memory_space<vmem>>) offsets(%dma_start3A_308 : memref<64xi32, #tpu.memory_space<vmem>>) semaphore(%arg8 : memref<!tpu.dma_semaphore, #tpu.memory_space<semaphore_mem>>)
    %dma_wait3A_312 = arith.constant 7 : i32
    %dma_wait3A_313 = arith.constant 1 : i32
    %dma_wait3A_314 = arith.constant 0 : i32
    %dma_wait3A_315 = arith.constant 0 : i32
    %dma_wait3A_316 = tpu.memref_slice %arg6[%dma_wait3A_313, %dma_wait3A_314, %dma_wait3A_315] : memref<6x64x256xf32, #tpu.memory_space<vmem>> -> memref<1x64x256xf32, #tpu.memory_space<vmem>>
    %dma_wait3A_317 = tpu.memref_squeeze %dma_wait3A_316 : memref<1x64x256xf32, #tpu.memory_space<vmem>> -> memref<64x256xf32, #tpu.memory_space<vmem>>
    %dma_wait3A_318 = arith.constant 0 : i32
    %dma_wait3A_319 = tpu.memref_slice %arg5[%dma_wait3A_312, %dma_wait3A_318] : memref<8x64xi32, #tpu.memory_space<vmem>> -> memref<1x64xi32, #tpu.memory_space<vmem>>
    %dma_wait3A_320 = tpu.memref_squeeze %dma_wait3A_319 : memref<1x64xi32, #tpu.memory_space<vmem>> -> memref<64xi32, #tpu.memory_space<vmem>>
    %dma_wait3A_321 = arith.constant 0 : i32
    %dma_wait3A_322 = arith.constant 0 : i32
    %dma_wait3A_323 = tpu.memref_slice %arg2[%dma_wait3A_321, %dma_wait3A_322] : memref<8192x256xf32, #tpu.memory_space<hbm>> -> memref<8192x256xf32, #tpu.memory_space<hbm>>
    tpu.wait_indirect_dma semaphore(%arg8 : memref<!tpu.dma_semaphore, #tpu.memory_space<semaphore_mem>>) src(%dma_wait3A_323 : memref<8192x256xf32, #tpu.memory_space<hbm>>) dst(%dma_wait3A_317 : memref<64x256xf32, #tpu.memory_space<vmem>>)
    %add3A_324 = arith.constant 448 : i32
    %add3A_325 = arith.addi %mul3A_2, %add3A_324 : i32
    %dma_start3A_326 = arith.constant 1 : i32
    %dma_start3A_327 = arith.constant 0 : i32
    %dma_start3A_328 = arith.constant 0 : i32
    %dma_start3A_329 = tpu.memref_slice %arg6[%dma_start3A_326, %dma_start3A_327, %dma_start3A_328] : memref<6x64x256xf32, #tpu.memory_space<vmem>> -> memref<1x64x256xf32, #tpu.memory_space<vmem>>
    %dma_start3A_330 = tpu.memref_squeeze %dma_start3A_329 : memref<1x64x256xf32, #tpu.memory_space<vmem>> -> memref<64x256xf32, #tpu.memory_space<vmem>>
    %dma_start3A_331 = arith.constant 0 : i32
    %dma_start3A_332 = tpu.memref_slice %arg4[%add3A_325, %dma_start3A_331] : memref<16384x256xf32, #tpu.memory_space<hbm>> -> memref<64x256xf32, #tpu.memory_space<hbm>>
    %dma_start3A_333 = arith.constant 0 : i32
    %dma_start3A_334 = tpu.memref_slice %arg4[%add3A_325, %dma_start3A_333] : memref<16384x256xf32, #tpu.memory_space<hbm>> -> memref<64x256xf32, #tpu.memory_space<hbm>>
    %dma_start3A_335 = arith.constant 0 : i32
    %dma_start3A_336 = arith.constant 0 : i32
    %dma_start3A_337 = tpu.memref_slice %arg6[%dma_start3A_326, %dma_start3A_335, %dma_start3A_336] : memref<6x64x256xf32, #tpu.memory_space<vmem>> -> memref<1x64x256xf32, #tpu.memory_space<vmem>>
    %dma_start3A_338 = tpu.memref_squeeze %dma_start3A_337 : memref<1x64x256xf32, #tpu.memory_space<vmem>> -> memref<64x256xf32, #tpu.memory_space<vmem>>
    tpu.enqueue_dma source(%dma_start3A_338 : memref<64x256xf32, #tpu.memory_space<vmem>>) target(%dma_start3A_334 : memref<64x256xf32, #tpu.memory_space<hbm>>) target_semaphore(%arg14 : memref<!tpu.dma_semaphore, #tpu.memory_space<semaphore_mem>>)
    %dma_wait3A_339 = arith.constant 2 : i32
    %dma_wait3A_340 = arith.constant 0 : i32
    %dma_wait3A_341 = arith.constant 0 : i32
    %dma_wait3A_342 = tpu.memref_slice %arg6[%dma_wait3A_339, %dma_wait3A_340, %dma_wait3A_341] : memref<6x64x256xf32, #tpu.memory_space<vmem>> -> memref<1x64x256xf32, #tpu.memory_space<vmem>>
    %dma_wait3A_343 = tpu.memref_squeeze %dma_wait3A_342 : memref<1x64x256xf32, #tpu.memory_space<vmem>> -> memref<64x256xf32, #tpu.memory_space<vmem>>
    %dma_wait3A_344 = arith.constant 0 : i32
    %dma_wait3A_345 = tpu.memref_slice %arg4[%add3A_140, %dma_wait3A_344] : memref<16384x256xf32, #tpu.memory_space<hbm>> -> memref<64x256xf32, #tpu.memory_space<hbm>>
    %dma_wait3A_346 = arith.constant 0 : i32
    %dma_wait3A_347 = tpu.memref_slice %arg4[%add3A_140, %dma_wait3A_346] : memref<16384x256xf32, #tpu.memory_space<hbm>> -> memref<64x256xf32, #tpu.memory_space<hbm>>
    %dma_wait3A_348 = arith.constant 0 : i32
    %dma_wait3A_349 = arith.constant 0 : i32
    %dma_wait3A_350 = tpu.memref_slice %arg6[%dma_wait3A_339, %dma_wait3A_348, %dma_wait3A_349] : memref<6x64x256xf32, #tpu.memory_space<vmem>> -> memref<1x64x256xf32, #tpu.memory_space<vmem>>
    %dma_wait3A_351 = tpu.memref_squeeze %dma_wait3A_350 : memref<1x64x256xf32, #tpu.memory_space<vmem>> -> memref<64x256xf32, #tpu.memory_space<vmem>>
    tpu.wait_dma2 semaphore(%arg15 : memref<!tpu.dma_semaphore, #tpu.memory_space<semaphore_mem>>) src(%dma_wait3A_351 : memref<64x256xf32, #tpu.memory_space<vmem>>) dst(%dma_wait3A_347 : memref<64x256xf32, #tpu.memory_space<hbm>>)
    %dma_wait3A_352 = arith.constant 3 : i32
    %dma_wait3A_353 = arith.constant 0 : i32
    %dma_wait3A_354 = arith.constant 0 : i32
    %dma_wait3A_355 = tpu.memref_slice %arg6[%dma_wait3A_352, %dma_wait3A_353, %dma_wait3A_354] : memref<6x64x256xf32, #tpu.memory_space<vmem>> -> memref<1x64x256xf32, #tpu.memory_space<vmem>>
    %dma_wait3A_356 = tpu.memref_squeeze %dma_wait3A_355 : memref<1x64x256xf32, #tpu.memory_space<vmem>> -> memref<64x256xf32, #tpu.memory_space<vmem>>
    %dma_wait3A_357 = arith.constant 0 : i32
    %dma_wait3A_358 = tpu.memref_slice %arg4[%add3A_167, %dma_wait3A_357] : memref<16384x256xf32, #tpu.memory_space<hbm>> -> memref<64x256xf32, #tpu.memory_space<hbm>>
    %dma_wait3A_359 = arith.constant 0 : i32
    %dma_wait3A_360 = tpu.memref_slice %arg4[%add3A_167, %dma_wait3A_359] : memref<16384x256xf32, #tpu.memory_space<hbm>> -> memref<64x256xf32, #tpu.memory_space<hbm>>
    %dma_wait3A_361 = arith.constant 0 : i32
    %dma_wait3A_362 = arith.constant 0 : i32
    %dma_wait3A_363 = tpu.memref_slice %arg6[%dma_wait3A_352, %dma_wait3A_361, %dma_wait3A_362] : memref<6x64x256xf32, #tpu.memory_space<vmem>> -> memref<1x64x256xf32, #tpu.memory_space<vmem>>
    %dma_wait3A_364 = tpu.memref_squeeze %dma_wait3A_363 : memref<1x64x256xf32, #tpu.memory_space<vmem>> -> memref<64x256xf32, #tpu.memory_space<vmem>>
    tpu.wait_dma2 semaphore(%arg16 : memref<!tpu.dma_semaphore, #tpu.memory_space<semaphore_mem>>) src(%dma_wait3A_364 : memref<64x256xf32, #tpu.memory_space<vmem>>) dst(%dma_wait3A_360 : memref<64x256xf32, #tpu.memory_space<hbm>>)
    %dma_wait3A_365 = arith.constant 4 : i32
    %dma_wait3A_366 = arith.constant 0 : i32
    %dma_wait3A_367 = arith.constant 0 : i32
    %dma_wait3A_368 = tpu.memref_slice %arg6[%dma_wait3A_365, %dma_wait3A_366, %dma_wait3A_367] : memref<6x64x256xf32, #tpu.memory_space<vmem>> -> memref<1x64x256xf32, #tpu.memory_space<vmem>>
    %dma_wait3A_369 = tpu.memref_squeeze %dma_wait3A_368 : memref<1x64x256xf32, #tpu.memory_space<vmem>> -> memref<64x256xf32, #tpu.memory_space<vmem>>
    %dma_wait3A_370 = arith.constant 0 : i32
    %dma_wait3A_371 = tpu.memref_slice %arg4[%add3A_194, %dma_wait3A_370] : memref<16384x256xf32, #tpu.memory_space<hbm>> -> memref<64x256xf32, #tpu.memory_space<hbm>>
    %dma_wait3A_372 = arith.constant 0 : i32
    %dma_wait3A_373 = tpu.memref_slice %arg4[%add3A_194, %dma_wait3A_372] : memref<16384x256xf32, #tpu.memory_space<hbm>> -> memref<64x256xf32, #tpu.memory_space<hbm>>
    %dma_wait3A_374 = arith.constant 0 : i32
    %dma_wait3A_375 = arith.constant 0 : i32
    %dma_wait3A_376 = tpu.memref_slice %arg6[%dma_wait3A_365, %dma_wait3A_374, %dma_wait3A_375] : memref<6x64x256xf32, #tpu.memory_space<vmem>> -> memref<1x64x256xf32, #tpu.memory_space<vmem>>
    %dma_wait3A_377 = tpu.memref_squeeze %dma_wait3A_376 : memref<1x64x256xf32, #tpu.memory_space<vmem>> -> memref<64x256xf32, #tpu.memory_space<vmem>>
    tpu.wait_dma2 semaphore(%arg17 : memref<!tpu.dma_semaphore, #tpu.memory_space<semaphore_mem>>) src(%dma_wait3A_377 : memref<64x256xf32, #tpu.memory_space<vmem>>) dst(%dma_wait3A_373 : memref<64x256xf32, #tpu.memory_space<hbm>>)
    %dma_wait3A_378 = arith.constant 5 : i32
    %dma_wait3A_379 = arith.constant 0 : i32
    %dma_wait3A_380 = arith.constant 0 : i32
    %dma_wait3A_381 = tpu.memref_slice %arg6[%dma_wait3A_378, %dma_wait3A_379, %dma_wait3A_380] : memref<6x64x256xf32, #tpu.memory_space<vmem>> -> memref<1x64x256xf32, #tpu.memory_space<vmem>>
    %dma_wait3A_382 = tpu.memref_squeeze %dma_wait3A_381 : memref<1x64x256xf32, #tpu.memory_space<vmem>> -> memref<64x256xf32, #tpu.memory_space<vmem>>
    %dma_wait3A_383 = arith.constant 0 : i32
    %dma_wait3A_384 = tpu.memref_slice %arg4[%add3A_221, %dma_wait3A_383] : memref<16384x256xf32, #tpu.memory_space<hbm>> -> memref<64x256xf32, #tpu.memory_space<hbm>>
    %dma_wait3A_385 = arith.constant 0 : i32
    %dma_wait3A_386 = tpu.memref_slice %arg4[%add3A_221, %dma_wait3A_385] : memref<16384x256xf32, #tpu.memory_space<hbm>> -> memref<64x256xf32, #tpu.memory_space<hbm>>
    %dma_wait3A_387 = arith.constant 0 : i32
    %dma_wait3A_388 = arith.constant 0 : i32
    %dma_wait3A_389 = tpu.memref_slice %arg6[%dma_wait3A_378, %dma_wait3A_387, %dma_wait3A_388] : memref<6x64x256xf32, #tpu.memory_space<vmem>> -> memref<1x64x256xf32, #tpu.memory_space<vmem>>
    %dma_wait3A_390 = tpu.memref_squeeze %dma_wait3A_389 : memref<1x64x256xf32, #tpu.memory_space<vmem>> -> memref<64x256xf32, #tpu.memory_space<vmem>>
    tpu.wait_dma2 semaphore(%arg18 : memref<!tpu.dma_semaphore, #tpu.memory_space<semaphore_mem>>) src(%dma_wait3A_390 : memref<64x256xf32, #tpu.memory_space<vmem>>) dst(%dma_wait3A_386 : memref<64x256xf32, #tpu.memory_space<hbm>>)
    %dma_wait3A_391 = arith.constant 0 : i32
    %dma_wait3A_392 = arith.constant 0 : i32
    %dma_wait3A_393 = arith.constant 0 : i32
    %dma_wait3A_394 = tpu.memref_slice %arg6[%dma_wait3A_391, %dma_wait3A_392, %dma_wait3A_393] : memref<6x64x256xf32, #tpu.memory_space<vmem>> -> memref<1x64x256xf32, #tpu.memory_space<vmem>>
    %dma_wait3A_395 = tpu.memref_squeeze %dma_wait3A_394 : memref<1x64x256xf32, #tpu.memory_space<vmem>> -> memref<64x256xf32, #tpu.memory_space<vmem>>
    %dma_wait3A_396 = arith.constant 0 : i32
    %dma_wait3A_397 = tpu.memref_slice %arg4[%add3A_273, %dma_wait3A_396] : memref<16384x256xf32, #tpu.memory_space<hbm>> -> memref<64x256xf32, #tpu.memory_space<hbm>>
    %dma_wait3A_398 = arith.constant 0 : i32
    %dma_wait3A_399 = tpu.memref_slice %arg4[%add3A_273, %dma_wait3A_398] : memref<16384x256xf32, #tpu.memory_space<hbm>> -> memref<64x256xf32, #tpu.memory_space<hbm>>
    %dma_wait3A_400 = arith.constant 0 : i32
    %dma_wait3A_401 = arith.constant 0 : i32
    %dma_wait3A_402 = tpu.memref_slice %arg6[%dma_wait3A_391, %dma_wait3A_400, %dma_wait3A_401] : memref<6x64x256xf32, #tpu.memory_space<vmem>> -> memref<1x64x256xf32, #tpu.memory_space<vmem>>
    %dma_wait3A_403 = tpu.memref_squeeze %dma_wait3A_402 : memref<1x64x256xf32, #tpu.memory_space<vmem>> -> memref<64x256xf32, #tpu.memory_space<vmem>>
    tpu.wait_dma2 semaphore(%arg13 : memref<!tpu.dma_semaphore, #tpu.memory_space<semaphore_mem>>) src(%dma_wait3A_403 : memref<64x256xf32, #tpu.memory_space<vmem>>) dst(%dma_wait3A_399 : memref<64x256xf32, #tpu.memory_space<hbm>>)
    %dma_wait3A_404 = arith.constant 1 : i32
    %dma_wait3A_405 = arith.constant 0 : i32
    %dma_wait3A_406 = arith.constant 0 : i32
    %dma_wait3A_407 = tpu.memref_slice %arg6[%dma_wait3A_404, %dma_wait3A_405, %dma_wait3A_406] : memref<6x64x256xf32, #tpu.memory_space<vmem>> -> memref<1x64x256xf32, #tpu.memory_space<vmem>>
    %dma_wait3A_408 = tpu.memref_squeeze %dma_wait3A_407 : memref<1x64x256xf32, #tpu.memory_space<vmem>> -> memref<64x256xf32, #tpu.memory_space<vmem>>
    %dma_wait3A_409 = arith.constant 0 : i32
    %dma_wait3A_410 = tpu.memref_slice %arg4[%add3A_325, %dma_wait3A_409] : memref<16384x256xf32, #tpu.memory_space<hbm>> -> memref<64x256xf32, #tpu.memory_space<hbm>>
    %dma_wait3A_411 = arith.constant 0 : i32
    %dma_wait3A_412 = tpu.memref_slice %arg4[%add3A_325, %dma_wait3A_411] : memref<16384x256xf32, #tpu.memory_space<hbm>> -> memref<64x256xf32, #tpu.memory_space<hbm>>
    %dma_wait3A_413 = arith.constant 0 : i32
    %dma_wait3A_414 = arith.constant 0 : i32
    %dma_wait3A_415 = tpu.memref_slice %arg6[%dma_wait3A_404, %dma_wait3A_413, %dma_wait3A_414] : memref<6x64x256xf32, #tpu.memory_space<vmem>> -> memref<1x64x256xf32, #tpu.memory_space<vmem>>
    %dma_wait3A_416 = tpu.memref_squeeze %dma_wait3A_415 : memref<1x64x256xf32, #tpu.memory_space<vmem>> -> memref<64x256xf32, #tpu.memory_space<vmem>>
    tpu.wait_dma2 semaphore(%arg14 : memref<!tpu.dma_semaphore, #tpu.memory_space<semaphore_mem>>) src(%dma_wait3A_416 : memref<64x256xf32, #tpu.memory_space<vmem>>) dst(%dma_wait3A_412 : memref<64x256xf32, #tpu.memory_space<hbm>>)
    return
  }
}

module attributes {stable_mosaic.version = 14 : i64} {
  func.func @_transpose_body(%arg0: i32, %arg1: memref<256x4096xf32, #tpu.memory_space<vmem>>, %arg2: memref<4096x256xf32, #tpu.memory_space<vmem>>) attributes {dimension_semantics = [#tpu.dimension_semantics<arbitrary>], iteration_bounds = array<i64: 2>, scalar_prefetch = 0 : i64, scratch_operands = 0 : i64, tpu.core_type = #tpu.core_type<tc>, window_params = [{transform_indices = @transform_0, window_bounds = array<i64: 256, 4096>}, {transform_indices = @transform_1, window_bounds = array<i64: 4096, 256>}]} {
    %get3A = arith.constant 0 : index
    %get3A_0 = arith.constant 0 : index
    %get3A_1 = vector.load %arg1[%get3A, %get3A_0] : memref<256x4096xf32, #tpu.memory_space<vmem>>, vector<256x4096xf32>
    %transpose3A = tpu.transpose %get3A_1, [1, 0] : vector<256x4096xf32> -> vector<4096x256xf32>
    %swap3A = arith.constant 0 : index
    %swap3A_2 = arith.constant 0 : index
    %swap3A_3 = vector.load %arg2[%swap3A, %swap3A_2] : memref<4096x256xf32, #tpu.memory_space<vmem>>, vector<4096x256xf32>
    tpu.vector_store %arg2[%swap3A, %swap3A_2], %transpose3A {strides = array<i32>} : memref<4096x256xf32, #tpu.memory_space<vmem>>, vector<4096x256xf32>,
    return
  }
  func.func @transform_0(%arg0: i32) -> (i32, i32) {
    %c0_i32 = arith.constant 0 : i32
    %c0_i32_0 = arith.constant 0 : i32
    return %c0_i32, %arg0 : i32, i32
  }
  func.func @transform_1(%arg0: i32) -> (i32, i32) {
    %c0_i32 = arith.constant 0 : i32
    %c0_i32_0 = arith.constant 0 : i32
    return %arg0, %c0_i32 : i32, i32
  }
}

</mosaic_0001>

<sc_bundles>
// kernel: kernel.4.cloned.1.call-start
scs
__scs_entry_jumppad:
0x0: {  	(pc) =	sbr.rel $0x88, $3  }
0x1: {  	(tag) =	ssettag $0x0;
	lr =	simm.s32 $0x1  }
0x2: {  	[smem:$0x3F9F] =	sst lr;
	_ =	strace $0xD0000000  }
0x3: {  	_ = 	snop  }
0x4: {  	_ = 	snop  }
0x5: {  	_ = 	snop  }
0x6: {  	_ = 	snop  }
0x7: {  	_ = 	snop  }
__scs_overlays_trampoline_lowered:
0x8: {  	[smem:$0x3FAE] =	sst s0  }
0x9: {  	[smem:$0x3FAF] =	sst s1  }
0xa: {  	[smem:$0x3FB0] =	sst s2  }
0xb: {  	[smem:$0x3FB1] =	sst s3  }
0xc: {  	[smem:$0x3FB2] =	sst s4  }
0xd: {  	[smem:$0x3FB3] =	sst s5  }
0xe: {  	[smem:$0x3FB4] =	sst s6  }
0xf: {  	[smem:$0x3FB5] =	sst s7  }
0x10: {  	[smem:$0x3FB6] =	sst s8  }
0x11: {  	[smem:$0x3FB7] =	sst s9;
	s0 =	simm.s32 @!p0 $0x0  }
0x12: {  	s1 =	sld [smem:$0x3F9D];
	s0 =	simm.s32 @p0 $0x1  }
0x13: {  	[smem:$0x3FB8] =	sst s0;
	s0 =	simm.s32 @!p1 $0x0  }
0x14: {  	s2 =	sld [smem:$0x3F9C];
	s0 =	simm.s32 @p1 $0x1  }
0x15: {  	[smem:$0x3FB9] =	sst s0;
	s0 =	simm.s32 @!p2 $0x0  }
0x16: {  	s3 =	sld [smem:$0x3FDB];
	s0 =	simm.s32 @p2 $0x1  }
0x17: {  	s4 =	simm.s32 $0x1BF5;
	[smem:$0x3FBB] =	sst s0  }
0x18: {  	s0 =	sld [smem:$0x3F9E];
	_ =	swait.ge [sflag:s4], $0x0  }
0x19: {  	s7 =	sld [smem:$0x3F9F]  }
0x1a: {  	s8 =	sadd.s32 $0xFFFFE003, lr  }
0x1b: {  	s9 =	sadd.s32 $0xFFFFFEF7, lr;
	s5 =	simm.s32 $0xFFFFFFFF;
	p2 =	slt.u32 s8, $0xFFFFF086  }
0x1c: {  	p1 =	slt.u32 s9, $0xF7A;
	s5 =	simm.s32 @!p2 $0x0  }
0x1d: {  	s5 =	simm.s32 @p1 $0x1;
	p0 =	seq.s32 s7, s2  }
0x1e: {  	s7 =	smul.u32 @!p0 $0xF7A, s2;
	p2 =	seq.s32 @!p0 s5, $0x0  }
0x1f: {  	s9 =	smul.u32 $0xF7A, s1;
	s8 =	simm.s32 @!p0 $0x1BF5;
	p2 =	por !p2, p0  }
0x20: {  	[sflag:s8] =	ssyncset.s32 @!p0 $0xFFFFF086;
	s6 =	sadd.s32 @!p0 s3, s7;
	s7 =	simm.s32 @!p0 $0x108  }
0x21: {  	s3 =	sadd.s32 s3, s9;
	s6 =	sadd.s32 @!p0 $0x88, s6;
	s7 =	simm.s32 @p2 $0x1082  }
0x22: {  	[simem:s7], [sflag:s8] =	dma.local @!p0 [hbm:s6], $0xF7A  }
0x23: {  	s9 =	sor.u32 $0xD0000000, s2;
	s6 =	simm.s32 $0x108;
	_ =	swait.ge @!p0 [sflag:s8], $0x0  }
0x24: {  	s3 =	sadd.s32 $0x88, s3;
	s6 =	simm.s32 @!p1 $0x1082;
	[sflag:s4] =	ssyncset.s32 $0xFFFFF086  }
0x25: {  	[simem:s6], [sflag:s4] =	dma.local [hbm:s3], $0xF7A  }
0x26: {  	[smem:$0x3F9F] =	sst s1;
	(tag) =	ssettag s2;
	_ =	strace s9  }
0x27: {  	s1 =	sld [smem:$0x3FAF]  }
0x28: {  	s2 =	sld [smem:$0x3FB0]  }
0x29: {  	s4 =	sld [smem:$0x3FB2]  }
0x2a: {  	p0 =	seq.s32 s5, $0x0;
	s5 =	sld [smem:$0x3FB3]  }
0x2b: {  	s6 =	sld [smem:$0x3FB4]  }
0x2c: {  	s7 =	sld [smem:$0x3FB5]  }
0x2d: {  	s3 =	simm.s32 $0x108;
	s8 =	sld [smem:$0x3FB6]  }
0x2e: {  	s3 =	simm.s32 @!p0 $0x1082;
	s9 =	sld [smem:$0x3FB7]  }
0x2f: {  	lr =	sadd.s32 s0, s3;
	s0 =	sld [smem:$0x3FAE]  }
0x30: {  	s3 =	sld [smem:$0x3FB1]  }
0x31: {  	[smem:$0x3FBA] =	sst s10  }
0x32: {  	s10 =	sld [smem:$0x3FB8];
	_ =	sdelay $0x3  }
0x33: {  	p0 =	seq.s32 s10, $0x1;
	s10 =	sld [smem:$0x3FBA];
	_ =	sdelay $0x3  }
0x34: {  	[smem:$0x3FBA] =	sst s10  }
0x35: {  	s10 =	sld [smem:$0x3FB9];
	_ =	sdelay $0x3  }
0x36: {  	p1 =	seq.s32 s10, $0x1;
	s10 =	sld [smem:$0x3FBA];
	_ =	sdelay $0x3  }
0x37: {  	[smem:$0x3FBA] =	sst s10  }
0x38: {  	s10 =	sld [smem:$0x3FBB]  }
0x39: {  	_ = 	snop;
	(pc) =	sbr.ind lr, $3  }
0x3a: {  	_ = 	snop  }
0x3b: {  	_ = 	snop  }
0x3c: {  	p2 =	seq.s32 s10, $0x1;
	s10 =	sld [smem:$0x3FBA]  }
0x3d: {  	_ =	shalt  }
0x3e: {  	_ =	shalt  }
0x3f: {  	_ =	shalt  }
0x40: {  	_ =	shalt  }
0x41: {  	_ =	shalt  }
0x42: {  	_ =	shalt  }
0x43: {  	_ =	shalt  }
0x44: {  	_ =	shalt  }
0x45: {  	_ =	shalt  }
0x46: {  	_ =	shalt  }
0x47: {  	_ =	shalt  }
0x48: {  	_ =	shalt  }
0x49: {  	_ =	shalt  }
0x4a: {  	_ =	shalt  }
0x4b: {  	_ =	shalt  }
0x4c: {  	_ =	shalt  }
0x4d: {  	_ =	shalt  }
0x4e: {  	_ =	shalt  }
0x4f: {  	_ =	shalt  }
0x50: {  	_ =	shalt  }
0x51: {  	_ =	shalt  }
0x52: {  	_ =	shalt  }
0x53: {  	_ =	shalt  }
0x54: {  	_ =	shalt  }
0x55: {  	_ =	shalt  }
0x56: {  	_ =	shalt  }
0x57: {  	_ =	shalt  }
0x58: {  	_ =	shalt  }
0x59: {  	_ =	shalt  }
0x5a: {  	_ =	shalt  }
0x5b: {  	_ =	shalt  }
0x5c: {  	_ =	shalt  }
0x5d: {  	_ =	shalt  }
0x5e: {  	_ =	shalt  }
0x5f: {  	_ =	shalt  }
0x60: {  	_ =	shalt  }
0x61: {  	_ =	shalt  }
0x62: {  	_ =	shalt  }
0x63: {  	_ =	shalt  }
0x64: {  	_ =	shalt  }
0x65: {  	_ =	shalt  }
0x66: {  	_ =	shalt  }
0x67: {  	_ =	shalt  }
0x68: {  	_ =	shalt  }
0x69: {  	_ =	shalt  }
0x6a: {  	_ =	shalt  }
0x6b: {  	_ =	shalt  }
0x6c: {  	_ =	shalt  }
0x6d: {  	_ =	shalt  }
0x6e: {  	_ =	shalt  }
0x6f: {  	_ =	shalt  }
0x70: {  	_ =	shalt  }
0x71: {  	_ =	shalt  }
0x72: {  	_ =	shalt  }
0x73: {  	_ =	shalt  }
0x74: {  	_ =	shalt  }
0x75: {  	_ =	shalt  }
0x76: {  	_ =	shalt  }
0x77: {  	_ =	shalt  }
0x78: {  	_ =	shalt  }
0x79: {  	_ =	shalt  }
0x7a: {  	_ =	shalt  }
0x7b: {  	_ =	shalt  }
0x7c: {  	_ =	shalt  }
0x7d: {  	_ =	shalt  }
0x7e: {  	_ =	shalt  }
0x7f: {  	_ =	shalt  }
0x80: {  	_ =	shalt  }
0x81: {  	_ =	shalt  }
0x82: {  	_ =	shalt  }
0x83: {  	_ =	shalt  }
0x84: {  	_ =	shalt  }
0x85: {  	_ =	shalt  }
0x86: {  	_ =	shalt  }
0x87: {  	_ =	shalt  }
.Lfunc_end0:
.L_simem_size_0:
called_computation_lowered:
.L_overlay_start_0:
0x88: {  	s2 =	sld [smem:$0x3FD9]  }
0x89: {  	s3 =	sld [smem:$0x3FFE];
	_ =	sdelay $0x1  }
0x8a: {  	s1 =	srdreg.scid  }
0x8b: {  	s0 =	sand.u32 $0x1, s1  }
0x8c: {  	s17 =	sshll.u32 s0, $0xA;
	s2 =	sadd.s32 s3, s2  }
0x8d: {  	s2 =	sadd.s32 s2, s17  }
0x8e: {  	[smem:$0x3FC6] =	sst s2  }
0x8f: {  	_ = 	snop  }
0x90: {  	s2 =	sld [smem:$0x3FD0];
	(tm) =	ssettm $0x1  }
0x91: {  	s18 =	sld [smem:$0x3FFB];
	_ =	sdelay $0x3  }
0x92: {  	_ =	strace s18  }
0x93: {  	s3 =	sld [smem:$0x3FFC];
	_ =	sdelay $0x3  }
0x94: {  	_ =	strace s3  }
0x95: {  	s3 =	sld [smem:$0x3FFD];
	_ =	sdelay $0x3  }
0x96: {  	_ =	strace s3  }
0x97: {  	_ =	strace $0x8FFFFFFF  }
0x98: {  	s19 =	sld [smem:$0x3FDB];
	_ =	sdelay $0x1  }
0x99: {  	s4 =	simm.s32 $_scs_section_size  }
0x9a: {  	s5 =	simm.s32 $_size__tile_overlayer_lowered;
	s6 =	simm.s32 $_tile_overlayer_lowered  }
0x9b: {  	s22 =	simm.s32 $0x1BFF;
	s21 =	sshll.u32 s6, $0x1;
	s3 =	sadd.s32 s4, s19  }
0x9c: {  	s7 =	simm.s32 $0x0;
	s20 =	sshll.u32 s5, $0x1;
	s5 =	sadd.s32 s21, s3  }
0x9d: {  	[timem:s7], [sflag:s22] =	dma.local [hbm:s5], s20  }
0x9e: {  	_ =	swait.ge [sflag:s22], s20  }
0x9f: {  	s4 =	ssub.s32 $0x0, s20;
	[sflag:s22] =	ssyncset.done $0x0  }
0xa0: {  	[sflag:s22] =	ssyncadd.s32 s4;
	_ =	sdelay $0x1  }
0xa1: {  	s23 =	simm.s32 $0x1B8B  }
0xa2: {  	_ =	swait.ge [sflag:s23], $0x1  }
0xa3: {  	[sflag:s23] =	ssyncset.done $0x0  }
0xa4: {  	s25 =	simm.s32 $0x1B8E;
	s24 =	sld [smem:$0x3FFE];
	[sflag:s23] =	ssyncadd.s32 $0xFFFFFFFF  }
0xa5: {  	s26 =	simm.s32 $execute0_lowered;
	[smem:$0x3FD2] =	sst s25  }
0xa6: {  	s5 =	sshll.u32 s26, $0x1;
	_ =	strace $0x80000046;
	[dreg:$0x1] =	wrdreg $0xFFFFFFFF  }
0xa7: {  	s28 =	simm.s32 $_size_execute0_lowered;
	s3 =	sadd.s32 s3, s5;
	[dreg:$0x0] =	wrdreg $0x0  }
0xa8: {  	s5 =	sshll.u32 s28, $0x1;
	[dreg:$0x2] =	wrdreg s3  }
0xa9: {  	[dreg:$0x3] =	wrdreg s5  }
0xaa: {  	[dreg:$0x4] =	wrdreg $0xC0  }
0xab: {  	_ =	task [dreg:s7], $0x5FFFF  }
0xac: {  	[dreg:$0x1] =	wrdreg $0xFFFFFFFF  }
0xad: {  	[dreg:$0x0] =	wrdreg $0x60  }
0xae: {  	[dreg:$0x2] =	wrdreg s24  }
0xaf: {  	[dreg:$0x3] =	wrdreg s2  }
0xb0: {  	[dreg:$0x4] =	wrdreg $0x9  }
0xb1: {  	_ =	task.clear_ibuf [dreg:s7], $0x5FFFF;
	_ =	strace $0x90000046  }
0xb2: {  	s29 =	simm.s32 $0x9;
	_ =	strace $0x80000048  }
0xb3: {  	_ =	swait.ge [sflag:s29], $0x1  }
0xb4: {  	[sflag:s29] =	ssyncadd.s32 $0xFFFFFFFF  }
0xb5: {  	_ =	strace $0x90000048  }
0xb6: {  	_ =	sfence  }
0xb7: {  	s30 =	sld [smem:$0x0];
	_ =	sdelay $0x2  }
0xb8: {  	s31 =	sshll.u32 s1, $0xD;
	s1 =	sshrl.u32 s1, $0x2  }
0xb9: {  	s3 =	sand.u32 $0x4000, s31;
	s1 =	sadd.s32 s1, s30  }
0xba: {  	s0 =	sor.u32 s3, s0;
	s1 =	sshll.u32 s1, $0x11  }
0xbb: {  	s0 =	sor.u32 s1, s0  }
0xbc: {  	s0 =	sadd.s32 $0x8F2B, s0  }
0xbd: {  	[sflag:s0] =	ssyncadd.remote.s32 $0x1  }
0xbe: {  	_ =	sfence.sel $0xFFFF  }
0xbf: {  	[dreg:$0x0] =	wrdreg $0xFFFFFFFF;
	(pc) =	sbr.abs _section_cstart, $3  }
0xc0: {  	[dreg:$0x1] =	wrdreg $0xFFFFFFFF  }
0xc1: {  	_ =	task.clear_ibuf [dreg:s7], $0x2FFFF;
	_ =	strace $0x9FFFFFFF  }
0xc2: {  	(tm) =	ssettm $0x7FFFFFFF  }
0xc3: {  	_ =	shalt  }
tec
execute0_lowered:
.L_overlay_start_1:
0x0: {  	(tag) =	ssettag $0x1  }
0x1: {  	s0 =	srdreg.scid;
	s2 =	stileid.u32  }
0x2: {  	s1 =	rddreg [dreg:$0x0];
	s0 =	sand.u32 $0x1, s0;
	s2 =	sshll.u32 s2, $0x1  }
0x3: {  	s3 =	rddreg [dreg:$0x1];
	s4 =	sor.u32 s0, s2;
	s2 =	simm.s32 $0x0  }
0x4: {  	s20 =	simm.s32 $0x8C00;
	[smem:$0x7FF] =	sst s2  }
0x5: {  	s21 =	simm.s32 $0x9400;
	_ =	strace $0x80000047;
	[dreg:$0xb] =	wrdreg s20  }
0x6: {  	s22 =	simm.s32 $0x9C00;
	[dreg:$0xc] =	wrdreg s21  }
0x7: {  	s23 =	simm.s32 $0xA400;
	[dreg:$0xd] =	wrdreg s22  }
0x8: {  	s24 =	simm.s32 $0xAC00;
	[dreg:$0xe] =	wrdreg s23  }
0x9: {  	s25 =	simm.s32 $0xB400;
	[dreg:$0xf] =	wrdreg s24  }
0xa: {  	s6 =	simm.s32 $0xCC00;
	[dreg:$0x10] =	wrdreg s25  }
0xb: {  	s7 =	simm.s32 $0xD400;
	[dreg:$0x12] =	wrdreg s6  }
0xc: {  	s8 =	simm.s32 $0xDC00;
	[dreg:$0x13] =	wrdreg s7  }
0xd: {  	s9 =	simm.s32 $0xE400;
	[dreg:$0x14] =	wrdreg s8  }
0xe: {  	s10 =	simm.s32 $0xEC00;
	[dreg:$0x15] =	wrdreg s9  }
0xf: {  	s11 =	simm.s32 $0xF400;
	s12 =	simm.s32 $0xFC00;
	[dreg:$0x16] =	wrdreg s10  }
0x10: {  	s13 =	simm.s32 $0x10C00;
	s28 =	simm.s32 $0x1;
	[dreg:$0x17] =	wrdreg s11  }
0x11: {  	s5 =	sshll.u32 s4, $0x7;
	s4 =	sshll.u32 s4, $0xE;
	[dreg:$0x18] =	wrdreg s12  }
0x12: {  	s29 =	simm.s32 $0x2;
	s3 =	sadd.s32 s3, s4;
	[dreg:$0x19] =	wrdreg s13  }
0x13: {  	s30 =	simm.s32 $0x7400;
	s20 =	simm.s32 $0x14C00;
	[smem:$0x7F6] =	sst s3  }
0x14: {  	s31 =	simm.s32 $0x7C00;
	s21 =	simm.s32 $0x15400;
	[smem:$0x7F7] =	sst s20  }
0x15: {  	s0 =	ssub.s32 $0x2, s0;
	s22 =	simm.s32 $0x15C00;
	[smem:$0x7F8] =	sst s21  }
0x16: {  	s26 =	sshrl.u32 s0, $0x1;
	s23 =	simm.s32 $0x16400;
	[smem:$0x7F9] =	sst s22  }
0x17: {  	s5 =	sadd.s32 s5, s1;
	s24 =	simm.s32 $0x16C00;
	[smem:$0x7FA] =	sst s23  }
0x18: {  	s0 =	ssub.s32 s0, s26;
	s25 =	simm.s32 $0x17400;
	[smem:$0x7FB] =	sst s24  }
0x19: {  	s7 =	simm.s32 $0x400;
	s26 =	simm.s32 $0x17C00;
	[smem:$0x7FC] =	sst s25  }
0x1a: {  	s8 =	simm.s32 $0x7;
	s5 =	sadd.s32 $0x800, s5;
	[smem:$0x7FD] =	sst s26  }
0x1b: {  	s9 =	simm.s32 $0x8;
	s4 =	sadd.s32 $0x800, s3;
	[dreg:$0x3] =	wrdreg s5  }
0x1c: {  	s12 =	simm.s32 $0xB;
	s14 =	sadd.s32 $0x1000, s3;
	[dreg:$0x4] =	wrdreg s4  }
0x1d: {  	s13 =	simm.s32 $0xC;
	s15 =	sadd.s32 $0x1800, s3;
	[dreg:$0x5] =	wrdreg s14  }
0x1e: {  	s6 =	simm.s32 $0x6C00;
	s16 =	sadd.s32 $0x2000, s3;
	[dreg:$0x6] =	wrdreg s15  }
0x1f: {  	s10 =	simm.s32 $0x10400;
	s17 =	sadd.s32 $0x2800, s3;
	[dreg:$0x7] =	wrdreg s16  }
0x20: {  	s11 =	simm.s32 $0x14400;
	s18 =	sadd.s32 $0x3000, s3;
	[dreg:$0x8] =	wrdreg s17  }
0x21: {  	s19 =	sadd.s32 $0x3800, s3;
	s3 =	simm.s32 $0xBC00;
	[dreg:$0x9] =	wrdreg s18  }
0x22: {  	s20 =	simm.s32 $0x2400;
	s21 =	simm.s32 $0x2C00;
	[dreg:$0xa] =	wrdreg s19  }
0x23: {  	s22 =	simm.s32 $0x3400;
	[dreg:$0x11] =	wrdreg s3;
	s14 =	simm.s32 $0x11400  }
0x24: {  	s23 =	simm.s32 $0x3C00;
	s15 =	simm.s32 $0x11C00;
	[dreg:$0x1a] =	wrdreg s14  }
0x25: {  	s24 =	simm.s32 $0x4C00;
	s16 =	simm.s32 $0x12400;
	[dreg:$0x1b] =	wrdreg s15  }
0x26: {  	s25 =	simm.s32 $0x5400;
	s17 =	simm.s32 $0x12C00;
	[dreg:$0x1c] =	wrdreg s16  }
0x27: {  	s26 =	simm.s32 $0x5C00;
	s18 =	simm.s32 $0x13400;
	[dreg:$0x1d] =	wrdreg s17  }
0x28: {  	v2 =	vlaneseq.u32;
	s4 =	sadd.s32 $0x1800, s1;
	s19 =	simm.s32 $0x13C00;
	[dreg:$0x1e] =	wrdreg s18  }
0x29: {  	vm0 =	vmmov $0xffff;
	v1 =	vshrl.u32 v2, $0x3;
	s5 =	smax.u32 s0, $0x1;
	s15 =	simm.s32 $0x4400;
	[dreg:$0x1f] =	wrdreg s19  }
0x2a: {  	v0 =	vand.u32 $0x7, v2;
	v2 =	vor.u32 $0x8, v2;
	v1 =	vmul.u32 $0x8, v1;
	s17 =	simm.s32 $0xC00;
	s18 =	simm.s32 $0x1400;
	s19 =	simm.s32 $0x1C00  }
.LBB2_1:
0x2b: {  	s14 =	rddreg [dreg:$0x3];
	s3 =	simm.s32 $0xD  }
0x2c: {  	[tilespmem:s2], [sflag:$0xD] =	stream.linear.gather [hbm4b:s14+s2], $0x400, $0x38;
	[tilespmem:$0x18400] =	vst v63  }
0x2d: {  	_ =	swait.ge [sflag:s3], $0x400  }
0x2e: {  	[sflag:s3] =	ssyncset.done $0x0  }
0x2f: {  	[sflag:s3] =	ssyncadd.s32 $0xFFFFFC00  }
0x30: {  	v3 =	vld [tilespmem:$0x0];
	_ =	sdelay $0x4  }
0x31: {  	v4 =	vshll.u32 v3, $0x1  }
0x32: {  	v3 =	vand.u32 $0x7, v3;
	v4 =	vand.u32 $0xFFFFFFF0, v4  }
0x33: {  	v3 =	vor.u32 v3, v4  }
0x34: {  	v4 =	vperm.xlane v3, v0;
	_ =	sdelay $0x1  }
0x35: {  	v3 =	vperm.xlane v3, v2;
	v4 =	vadd.s32 v1, v4;
	_ =	sdelay $0x1  }
0x36: {  	v3 =	vadd.s32 v1, v3;
	_ =	sdelay $0x2  }
0x37: {  	[tilespmem:s7], [sflag:$0x1] =	stream.indirect_vreg.gather [hbm4b:s4+s2], $0x80, v4, vm0, $0xb8;
	[tilespmem:$0x18400] =	vst v63  }
0x38: {  	_ = 	snop  }
0x39: {  	[tilespmem:s17], [sflag:$0x1] =	stream.indirect_vreg.gather [hbm4b:s4+s2], $0x80, v3, vm0, $0xb8;
	[tilespmem:$0x18400] =	vst v63  }
0x3a: {  	v3 =	vld [tilespmem:$0x10];
	_ =	sdelay $0x4  }
0x3b: {  	v33 =	vshll.u32 v3, $0x1  }
0x3c: {  	v3 =	vand.u32 $0x7, v3;
	v4 =	vand.u32 $0xFFFFFFF0, v33  }
0x3d: {  	v3 =	vor.u32 v3, v4  }
0x3e: {  	v4 =	vperm.xlane v3, v0;
	_ =	sdelay $0x1  }
0x3f: {  	v3 =	vperm.xlane v3, v2;
	v4 =	vadd.s32 v1, v4;
	_ =	sdelay $0x1  }
0x40: {  	v3 =	vadd.s32 v1, v3;
	_ =	sdelay $0x2  }
0x41: {  	[tilespmem:s18], [sflag:$0x1] =	stream.indirect_vreg.gather [hbm4b:s4+s2], $0x80, v4, vm0, $0xb8;
	[tilespmem:$0x18400] =	vst v63  }
0x42: {  	_ = 	snop  }
0x43: {  	[tilespmem:s19], [sflag:$0x1] =	stream.indirect_vreg.gather [hbm4b:s4+s2], $0x80, v3, vm0, $0xb8;
	[tilespmem:$0x18400] =	vst v63  }
0x44: {  	v3 =	vld [tilespmem:$0x20];
	_ =	sdelay $0x4  }
0x45: {  	v34 =	vshll.u32 v3, $0x1  }
0x46: {  	v3 =	vand.u32 $0x7, v3;
	v4 =	vand.u32 $0xFFFFFFF0, v34  }
0x47: {  	v3 =	vor.u32 v3, v4  }
0x48: {  	v4 =	vperm.xlane v3, v0;
	_ =	sdelay $0x1  }
0x49: {  	v3 =	vperm.xlane v3, v2;
	v4 =	vadd.s32 v1, v4;
	_ =	sdelay $0x1  }
0x4a: {  	v3 =	vadd.s32 v1, v3;
	_ =	sdelay $0x2  }
0x4b: {  	[tilespmem:s20], [sflag:$0x1] =	stream.indirect_vreg.gather [hbm4b:s4+s2], $0x80, v4, vm0, $0xb8;
	[tilespmem:$0x18400] =	vst v63  }
0x4c: {  	_ = 	snop  }
0x4d: {  	[tilespmem:s21], [sflag:$0x1] =	stream.indirect_vreg.gather [hbm4b:s4+s2], $0x80, v3, vm0, $0xb8;
	[tilespmem:$0x18400] =	vst v63  }
0x4e: {  	v3 =	vld [tilespmem:$0x30];
	_ =	sdelay $0x4  }
0x4f: {  	v35 =	vshll.u32 v3, $0x1  }
0x50: {  	v3 =	vand.u32 $0x7, v3;
	v4 =	vand.u32 $0xFFFFFFF0, v35  }
0x51: {  	v3 =	vor.u32 v3, v4  }
0x52: {  	v4 =	vperm.xlane v3, v0;
	_ =	sdelay $0x1  }
0x53: {  	v3 =	vperm.xlane v3, v2;
	v4 =	vadd.s32 v1, v4;
	_ =	sdelay $0x1  }
0x54: {  	v3 =	vadd.s32 v1, v3;
	_ =	sdelay $0x2  }
0x55: {  	[tilespmem:s22], [sflag:$0x1] =	stream.indirect_vreg.gather [hbm4b:s4+s2], $0x80, v4, vm0, $0xb8;
	[tilespmem:$0x18400] =	vst v63  }
0x56: {  	_ = 	snop  }
0x57: {  	[tilespmem:s23], [sflag:$0x1] =	stream.indirect_vreg.gather [hbm4b:s4+s2], $0x80, v3, vm0, $0xb8;
	[tilespmem:$0x18400] =	vst v63  }
0x58: {  	v3 =	vld [tilespmem:$0x80];
	_ =	sdelay $0x4  }
0x59: {  	v36 =	vshll.u32 v3, $0x1  }
0x5a: {  	v3 =	vand.u32 $0x7, v3;
	v4 =	vand.u32 $0xFFFFFFF0, v36  }
0x5b: {  	v3 =	vor.u32 v3, v4  }
0x5c: {  	v4 =	vperm.xlane v3, v0;
	_ =	sdelay $0x1  }
0x5d: {  	v3 =	vperm.xlane v3, v2;
	v4 =	vadd.s32 v1, v4;
	_ =	sdelay $0x1  }
0x5e: {  	v3 =	vadd.s32 v1, v3;
	_ =	sdelay $0x2  }
0x5f: {  	[tilespmem:s15], [sflag:$0x2] =	stream.indirect_vreg.gather [hbm4b:s4+s2], $0x80, v4, vm0, $0xb8;
	[tilespmem:$0x18400] =	vst v63  }
0x60: {  	_ = 	snop  }
0x61: {  	[tilespmem:s24], [sflag:$0x2] =	stream.indirect_vreg.gather [hbm4b:s4+s2], $0x80, v3, vm0, $0xb8;
	[tilespmem:$0x18400] =	vst v63  }
0x62: {  	v3 =	vld [tilespmem:$0x90];
	_ =	sdelay $0x4  }
0x63: {  	v37 =	vshll.u32 v3, $0x1  }
0x64: {  	v3 =	vand.u32 $0x7, v3;
	v4 =	vand.u32 $0xFFFFFFF0, v37  }
0x65: {  	v3 =	vor.u32 v3, v4  }
0x66: {  	v4 =	vperm.xlane v3, v0;
	_ =	sdelay $0x1  }
0x67: {  	v3 =	vperm.xlane v3, v2;
	v4 =	vadd.s32 v1, v4;
	_ =	sdelay $0x1  }
0x68: {  	v3 =	vadd.s32 v1, v3;
	_ =	sdelay $0x2  }
0x69: {  	[tilespmem:s25], [sflag:$0x2] =	stream.indirect_vreg.gather [hbm4b:s4+s2], $0x80, v4, vm0, $0xb8;
	[tilespmem:$0x18400] =	vst v63  }
0x6a: {  	_ = 	snop  }
0x6b: {  	[tilespmem:s26], [sflag:$0x2] =	stream.indirect_vreg.gather [hbm4b:s4+s2], $0x80, v3, vm0, $0xb8;
	[tilespmem:$0x18400] =	vst v63  }
0x6c: {  	v3 =	vld [tilespmem:$0xA0];
	_ =	sdelay $0x4  }
0x6d: {  	v38 =	vshll.u32 v3, $0x1  }
0x6e: {  	v3 =	vand.u32 $0x7, v3;
	v4 =	vand.u32 $0xFFFFFFF0, v38  }
0x6f: {  	v3 =	vor.u32 v3, v4  }
0x70: {  	v4 =	vperm.xlane v3, v0;
	_ =	sdelay $0x1  }
0x71: {  	v3 =	vperm.xlane v3, v2;
	v4 =	vadd.s32 v1, v4;
	_ =	sdelay $0x1  }
0x72: {  	v3 =	vadd.s32 v1, v3;
	_ =	sdelay $0x1  }
0x73: {  	s3 =	simm.s32 $0x6400  }
0x74: {  	[tilespmem:s3], [sflag:$0x2] =	stream.indirect_vreg.gather [hbm4b:s4+s2], $0x80, v4, vm0, $0xb8;
	[tilespmem:$0x18400] =	vst v63  }
0x75: {  	_ = 	snop  }
0x76: {  	[tilespmem:s6], [sflag:$0x2] =	stream.indirect_vreg.gather [hbm4b:s4+s2], $0x80, v3, vm0, $0xb8;
	[tilespmem:$0x18400] =	vst v63  }
0x77: {  	v3 =	vld [tilespmem:$0xB0];
	_ =	sdelay $0x4  }
0x78: {  	v39 =	vshll.u32 v3, $0x1  }
0x79: {  	v3 =	vand.u32 $0x7, v3;
	v4 =	vand.u32 $0xFFFFFFF0, v39  }
0x7a: {  	v3 =	vor.u32 v3, v4  }
0x7b: {  	v4 =	vperm.xlane v3, v0;
	_ =	sdelay $0x1  }
0x7c: {  	v3 =	vperm.xlane v3, v2;
	v4 =	vadd.s32 v1, v4;
	_ =	sdelay $0x1  }
0x7d: {  	v3 =	vadd.s32 v1, v3;
	_ =	sdelay $0x2  }
0x7e: {  	[tilespmem:s30], [sflag:$0x2] =	stream.indirect_vreg.gather [hbm4b:s4+s2], $0x80, v4, vm0, $0xb8;
	[tilespmem:$0x18400] =	vst v63  }
0x7f: {  	_ = 	snop  }
0x80: {  	[tilespmem:s31], [sflag:$0x2] =	stream.indirect_vreg.gather [hbm4b:s4+s2], $0x80, v3, vm0, $0xb8;
	[tilespmem:$0x18400] =	vst v63  }
0x81: {  	v3 =	vld [tilespmem:$0x100];
	_ =	sdelay $0x4  }
0x82: {  	v40 =	vshll.u32 v3, $0x1  }
0x83: {  	v3 =	vand.u32 $0x7, v3;
	v4 =	vand.u32 $0xFFFFFFF0, v40  }
0x84: {  	v3 =	vor.u32 v3, v4  }
0x85: {  	v4 =	vperm.xlane v3, v0;
	_ =	sdelay $0x1  }
0x86: {  	v3 =	vperm.xlane v3, v2;
	v4 =	vadd.s32 v1, v4;
	_ =	sdelay $0x1  }
0x87: {  	v3 =	vadd.s32 v1, v3;
	_ =	sdelay $0x1  }
0x88: {  	s1 =	simm.s32 $0x8400  }
0x89: {  	[tilespmem:s1], [sflag:$0x3] =	stream.indirect_vreg.gather [hbm4b:s4+s2], $0x80, v4, vm0, $0xb8;
	[tilespmem:$0x18400] =	vst v63  }
0x8a: {  	s16 =	rddreg [dreg:$0xb]  }
0x8b: {  	[tilespmem:s16], [sflag:$0x3] =	stream.indirect_vreg.gather [hbm4b:s4+s2], $0x80, v3, vm0, $0xb8;
	[tilespmem:$0x18400] =	vst v63  }
0x8c: {  	v3 =	vld [tilespmem:$0x110];
	_ =	sdelay $0x4  }
0x8d: {  	v41 =	vshll.u32 v3, $0x1  }
0x8e: {  	v3 =	vand.u32 $0x7, v3;
	v4 =	vand.u32 $0xFFFFFFF0, v41  }
0x8f: {  	v3 =	vor.u32 v3, v4  }
0x90: {  	v4 =	vperm.xlane v3, v0;
	_ =	sdelay $0x1  }
0x91: {  	v3 =	vperm.xlane v3, v2;
	v4 =	vadd.s32 v1, v4;
	_ =	sdelay $0x1  }
0x92: {  	v3 =	vadd.s32 v1, v3;
	_ =	sdelay $0x1  }
0x93: {  	s0 =	rddreg [dreg:$0xc]  }
0x94: {  	[tilespmem:s0], [sflag:$0x3] =	stream.indirect_vreg.gather [hbm4b:s4+s2], $0x80, v4, vm0, $0xb8;
	[tilespmem:$0x18400] =	vst v63  }
0x95: {  	s16 =	rddreg [dreg:$0xd]  }
0x96: {  	[tilespmem:s16], [sflag:$0x3] =	stream.indirect_vreg.gather [hbm4b:s4+s2], $0x80, v3, vm0, $0xb8;
	[tilespmem:$0x18400] =	vst v63  }
0x97: {  	v3 =	vld [tilespmem:$0x120];
	_ =	sdelay $0x4  }
0x98: {  	v42 =	vshll.u32 v3, $0x1  }
0x99: {  	v3 =	vand.u32 $0x7, v3;
	v4 =	vand.u32 $0xFFFFFFF0, v42  }
0x9a: {  	v3 =	vor.u32 v3, v4  }
0x9b: {  	v4 =	vperm.xlane v3, v0;
	_ =	sdelay $0x1  }
0x9c: {  	v3 =	vperm.xlane v3, v2;
	v4 =	vadd.s32 v1, v4;
	_ =	sdelay $0x1  }
0x9d: {  	v3 =	vadd.s32 v1, v3;
	_ =	sdelay $0x1  }
0x9e: {  	s16 =	rddreg [dreg:$0xe]  }
0x9f: {  	[tilespmem:s16], [sflag:$0x3] =	stream.indirect_vreg.gather [hbm4b:s4+s2], $0x80, v4, vm0, $0xb8;
	[tilespmem:$0x18400] =	vst v63  }
0xa0: {  	s0 =	rddreg [dreg:$0xf]  }
0xa1: {  	[tilespmem:s0], [sflag:$0x3] =	stream.indirect_vreg.gather [hbm4b:s4+s2], $0x80, v3, vm0, $0xb8;
	[tilespmem:$0x18400] =	vst v63  }
0xa2: {  	v3 =	vld [tilespmem:$0x130];
	_ =	sdelay $0x4  }
0xa3: {  	v43 =	vshll.u32 v3, $0x1  }
0xa4: {  	v3 =	vand.u32 $0x7, v3;
	v4 =	vand.u32 $0xFFFFFFF0, v43  }
0xa5: {  	v3 =	vor.u32 v3, v4  }
0xa6: {  	v4 =	vperm.xlane v3, v0;
	_ =	sdelay $0x1  }
0xa7: {  	v3 =	vperm.xlane v3, v2;
	v4 =	vadd.s32 v1, v4;
	_ =	sdelay $0x1  }
0xa8: {  	v3 =	vadd.s32 v1, v3;
	_ =	sdelay $0x1  }
0xa9: {  	s16 =	rddreg [dreg:$0x10]  }
0xaa: {  	[tilespmem:s16], [sflag:$0x3] =	stream.indirect_vreg.gather [hbm4b:s4+s2], $0x80, v4, vm0, $0xb8;
	[tilespmem:$0x18400] =	vst v63  }
0xab: {  	s0 =	rddreg [dreg:$0x11]  }
0xac: {  	[tilespmem:s0], [sflag:$0x3] =	stream.indirect_vreg.gather [hbm4b:s4+s2], $0x80, v3, vm0, $0xb8;
	[tilespmem:$0x18400] =	vst v63  }
0xad: {  	v3 =	vld [tilespmem:$0x180];
	_ =	sdelay $0x4  }
0xae: {  	v44 =	vshll.u32 v3, $0x1  }
0xaf: {  	v3 =	vand.u32 $0x7, v3;
	v4 =	vand.u32 $0xFFFFFFF0, v44  }
0xb0: {  	v3 =	vor.u32 v3, v4  }
0xb1: {  	v4 =	vperm.xlane v3, v0;
	_ =	sdelay $0x1  }
0xb2: {  	v3 =	vperm.xlane v3, v2;
	v4 =	vadd.s32 v1, v4;
	_ =	sdelay $0x1  }
0xb3: {  	v3 =	vadd.s32 v1, v3;
	_ =	sdelay $0x1  }
0xb4: {  	s0 =	simm.s32 $0xC400  }
0xb5: {  	[tilespmem:s0], [sflag:$0x4] =	stream.indirect_vreg.gather [hbm4b:s4+s2], $0x80, v4, vm0, $0xb8;
	[tilespmem:$0x18400] =	vst v63  }
0xb6: {  	s16 =	rddreg [dreg:$0x12]  }
0xb7: {  	[tilespmem:s16], [sflag:$0x4] =	stream.indirect_vreg.gather [hbm4b:s4+s2], $0x80, v3, vm0, $0xb8;
	[tilespmem:$0x18400] =	vst v63  }
0xb8: {  	v3 =	vld [tilespmem:$0x190];
	_ =	sdelay $0x4  }
0xb9: {  	v45 =	vshll.u32 v3, $0x1  }
0xba: {  	v3 =	vand.u32 $0x7, v3;
	v4 =	vand.u32 $0xFFFFFFF0, v45  }
0xbb: {  	v3 =	vor.u32 v3, v4  }
0xbc: {  	v4 =	vperm.xlane v3, v0;
	_ =	sdelay $0x1  }
0xbd: {  	v3 =	vperm.xlane v3, v2;
	v4 =	vadd.s32 v1, v4;
	_ =	sdelay $0x1  }
0xbe: {  	v3 =	vadd.s32 v1, v3;
	_ =	sdelay $0x1  }
0xbf: {  	s14 =	rddreg [dreg:$0x13]  }
0xc0: {  	[tilespmem:s14], [sflag:$0x4] =	stream.indirect_vreg.gather [hbm4b:s4+s2], $0x80, v4, vm0, $0xb8;
	[tilespmem:$0x18400] =	vst v63  }
0xc1: {  	s16 =	rddreg [dreg:$0x14]  }
0xc2: {  	[tilespmem:s16], [sflag:$0x4] =	stream.indirect_vreg.gather [hbm4b:s4+s2], $0x80, v3, vm0, $0xb8;
	[tilespmem:$0x18400] =	vst v63  }
0xc3: {  	v3 =	vld [tilespmem:$0x1A0];
	_ =	sdelay $0x4  }
0xc4: {  	v46 =	vshll.u32 v3, $0x1  }
0xc5: {  	v3 =	vand.u32 $0x7, v3;
	v4 =	vand.u32 $0xFFFFFFF0, v46  }
0xc6: {  	v3 =	vor.u32 v3, v4  }
0xc7: {  	v4 =	vperm.xlane v3, v0;
	_ =	sdelay $0x1  }
0xc8: {  	v3 =	vperm.xlane v3, v2;
	v4 =	vadd.s32 v1, v4;
	_ =	sdelay $0x1  }
0xc9: {  	v3 =	vadd.s32 v1, v3;
	_ =	sdelay $0x1  }
0xca: {  	s14 =	rddreg [dreg:$0x15]  }
0xcb: {  	[tilespmem:s14], [sflag:$0x4] =	stream.indirect_vreg.gather [hbm4b:s4+s2], $0x80, v4, vm0, $0xb8;
	[tilespmem:$0x18400] =	vst v63  }
0xcc: {  	s16 =	rddreg [dreg:$0x16]  }
0xcd: {  	[tilespmem:s16], [sflag:$0x4] =	stream.indirect_vreg.gather [hbm4b:s4+s2], $0x80, v3, vm0, $0xb8;
	[tilespmem:$0x18400] =	vst v63  }
0xce: {  	v3 =	vld [tilespmem:$0x1B0];
	_ =	sdelay $0x4  }
0xcf: {  	v47 =	vshll.u32 v3, $0x1  }
0xd0: {  	v3 =	vand.u32 $0x7, v3;
	v4 =	vand.u32 $0xFFFFFFF0, v47  }
0xd1: {  	v3 =	vor.u32 v3, v4  }
0xd2: {  	v4 =	vperm.xlane v3, v0;
	_ =	sdelay $0x1  }
0xd3: {  	v3 =	vperm.xlane v3, v2;
	v4 =	vadd.s32 v1, v4;
	_ =	sdelay $0x1  }
0xd4: {  	v3 =	vadd.s32 v1, v3;
	_ =	sdelay $0x1  }
0xd5: {  	s14 =	rddreg [dreg:$0x17]  }
0xd6: {  	[tilespmem:s14], [sflag:$0x4] =	stream.indirect_vreg.gather [hbm4b:s4+s2], $0x80, v4, vm0, $0xb8;
	[tilespmem:$0x18400] =	vst v63  }
0xd7: {  	s16 =	rddreg [dreg:$0x18]  }
0xd8: {  	[tilespmem:s16], [sflag:$0x4] =	stream.indirect_vreg.gather [hbm4b:s4+s2], $0x80, v3, vm0, $0xb8;
	[tilespmem:$0x18400] =	vst v63  }
0xd9: {  	v3 =	vld [tilespmem:$0x200];
	_ =	sdelay $0x4  }
0xda: {  	v48 =	vshll.u32 v3, $0x1  }
0xdb: {  	v3 =	vand.u32 $0x7, v3;
	v4 =	vand.u32 $0xFFFFFFF0, v48  }
0xdc: {  	v3 =	vor.u32 v3, v4  }
0xdd: {  	v4 =	vperm.xlane v3, v0;
	_ =	sdelay $0x1  }
0xde: {  	v3 =	vperm.xlane v3, v2;
	v4 =	vadd.s32 v1, v4;
	_ =	sdelay $0x1  }
0xdf: {  	v3 =	vadd.s32 v1, v3;
	_ =	sdelay $0x2  }
0xe0: {  	[tilespmem:s10], [sflag:$0x5] =	stream.indirect_vreg.gather [hbm4b:s4+s2], $0x80, v4, vm0, $0xb8;
	[tilespmem:$0x18400] =	vst v63  }
0xe1: {  	s16 =	rddreg [dreg:$0x19]  }
0xe2: {  	[tilespmem:s16], [sflag:$0x5] =	stream.indirect_vreg.gather [hbm4b:s4+s2], $0x80, v3, vm0, $0xb8;
	[tilespmem:$0x18400] =	vst v63  }
0xe3: {  	v3 =	vld [tilespmem:$0x210];
	_ =	sdelay $0x4  }
0xe4: {  	v49 =	vshll.u32 v3, $0x1  }
0xe5: {  	v3 =	vand.u32 $0x7, v3;
	v4 =	vand.u32 $0xFFFFFFF0, v49  }
0xe6: {  	v3 =	vor.u32 v3, v4  }
0xe7: {  	v4 =	vperm.xlane v3, v0;
	_ =	sdelay $0x1  }
0xe8: {  	v3 =	vperm.xlane v3, v2;
	v4 =	vadd.s32 v1, v4;
	_ =	sdelay $0x1  }
0xe9: {  	v3 =	vadd.s32 v1, v3;
	_ =	sdelay $0x1  }
0xea: {  	s14 =	rddreg [dreg:$0x1a]  }
0xeb: {  	[tilespmem:s14], [sflag:$0x5] =	stream.indirect_vreg.gather [hbm4b:s4+s2], $0x80, v4, vm0, $0xb8;
	[tilespmem:$0x18400] =	vst v63  }
0xec: {  	s16 =	rddreg [dreg:$0x1b]  }
0xed: {  	[tilespmem:s16], [sflag:$0x5] =	stream.indirect_vreg.gather [hbm4b:s4+s2], $0x80, v3, vm0, $0xb8;
	[tilespmem:$0x18400] =	vst v63  }
0xee: {  	v3 =	vld [tilespmem:$0x220];
	_ =	sdelay $0x4  }
0xef: {  	v50 =	vshll.u32 v3, $0x1  }
0xf0: {  	v3 =	vand.u32 $0x7, v3;
	v4 =	vand.u32 $0xFFFFFFF0, v50  }
0xf1: {  	v3 =	vor.u32 v3, v4  }
0xf2: {  	v4 =	vperm.xlane v3, v0;
	_ =	sdelay $0x1  }
0xf3: {  	v3 =	vperm.xlane v3, v2;
	v4 =	vadd.s32 v1, v4;
	_ =	sdelay $0x1  }
0xf4: {  	v3 =	vadd.s32 v1, v3;
	_ =	sdelay $0x1  }
0xf5: {  	s14 =	rddreg [dreg:$0x1c]  }
0xf6: {  	[tilespmem:s14], [sflag:$0x5] =	stream.indirect_vreg.gather [hbm4b:s4+s2], $0x80, v4, vm0, $0xb8;
	[tilespmem:$0x18400] =	vst v63  }
0xf7: {  	s16 =	rddreg [dreg:$0x1d]  }
0xf8: {  	[tilespmem:s16], [sflag:$0x5] =	stream.indirect_vreg.gather [hbm4b:s4+s2], $0x80, v3, vm0, $0xb8;
	[tilespmem:$0x18400] =	vst v63  }
0xf9: {  	v3 =	vld [tilespmem:$0x230];
	_ =	sdelay $0x4  }
0xfa: {  	v51 =	vshll.u32 v3, $0x1  }
0xfb: {  	v3 =	vand.u32 $0x7, v3;
	v4 =	vand.u32 $0xFFFFFFF0, v51  }
0xfc: {  	v3 =	vor.u32 v3, v4  }
0xfd: {  	v4 =	vperm.xlane v3, v0;
	_ =	sdelay $0x1  }
0xfe: {  	v3 =	vperm.xlane v3, v2;
	v4 =	vadd.s32 v1, v4;
	_ =	sdelay $0x1  }
0xff: {  	v3 =	vadd.s32 v1, v3;
	_ =	sdelay $0x1  }
0x100: {  	s14 =	rddreg [dreg:$0x1e]  }
0x101: {  	[tilespmem:s14], [sflag:$0x5] =	stream.indirect_vreg.gather [hbm4b:s4+s2], $0x80, v4, vm0, $0xb8;
	[tilespmem:$0x18400] =	vst v63  }
0x102: {  	s16 =	rddreg [dreg:$0x1f]  }
0x103: {  	[tilespmem:s16], [sflag:$0x5] =	stream.indirect_vreg.gather [hbm4b:s4+s2], $0x80, v3, vm0, $0xb8;
	[tilespmem:$0x18400] =	vst v63  }
0x104: {  	v3 =	vld [tilespmem:$0x280];
	_ =	sdelay $0x4  }
0x105: {  	v52 =	vshll.u32 v3, $0x1  }
0x106: {  	v3 =	vand.u32 $0x7, v3;
	v4 =	vand.u32 $0xFFFFFFF0, v52  }
0x107: {  	v3 =	vor.u32 v3, v4  }
0x108: {  	v4 =	vperm.xlane v3, v0;
	_ =	sdelay $0x1  }
0x109: {  	v3 =	vperm.xlane v3, v2;
	v4 =	vadd.s32 v1, v4;
	_ =	sdelay $0x1  }
0x10a: {  	v3 =	vadd.s32 v1, v3;
	_ =	sdelay $0x1  }
0x10b: {  	s16 =	sld [smem:$0x7F7]  }
0x10c: {  	[tilespmem:s11], [sflag:$0x6] =	stream.indirect_vreg.gather [hbm4b:s4+s2], $0x80, v4, vm0, $0xb8;
	[tilespmem:$0x18400] =	vst v63  }
0x10d: {  	_ = 	snop  }
0x10e: {  	[tilespmem:s16], [sflag:$0x6] =	stream.indirect_vreg.gather [hbm4b:s4+s2], $0x80, v3, vm0, $0xb8;
	[tilespmem:$0x18400] =	vst v63  }
0x10f: {  	v3 =	vld [tilespmem:$0x290];
	_ =	sdelay $0x4  }
0x110: {  	v53 =	vshll.u32 v3, $0x1  }
0x111: {  	v3 =	vand.u32 $0x7, v3;
	v4 =	vand.u32 $0xFFFFFFF0, v53  }
0x112: {  	v3 =	vor.u32 v3, v4  }
0x113: {  	v4 =	vperm.xlane v3, v0;
	_ =	sdelay $0x1  }
0x114: {  	v3 =	vperm.xlane v3, v2;
	v4 =	vadd.s32 v1, v4;
	_ =	sdelay $0x1  }
0x115: {  	s14 =	sld [smem:$0x7F8];
	v3 =	vadd.s32 v1, v3;
	_ =	sdelay $0x1  }
0x116: {  	s16 =	sld [smem:$0x7F9]  }
0x117: {  	[tilespmem:s14], [sflag:$0x6] =	stream.indirect_vreg.gather [hbm4b:s4+s2], $0x80, v4, vm0, $0xb8;
	[tilespmem:$0x18400] =	vst v63  }
0x118: {  	_ = 	snop  }
0x119: {  	[tilespmem:s16], [sflag:$0x6] =	stream.indirect_vreg.gather [hbm4b:s4+s2], $0x80, v3, vm0, $0xb8;
	[tilespmem:$0x18400] =	vst v63  }
0x11a: {  	v3 =	vld [tilespmem:$0x2A0];
	_ =	sdelay $0x4  }
0x11b: {  	v54 =	vshll.u32 v3, $0x1  }
0x11c: {  	v3 =	vand.u32 $0x7, v3;
	v4 =	vand.u32 $0xFFFFFFF0, v54  }
0x11d: {  	v3 =	vor.u32 v3, v4  }
0x11e: {  	v4 =	vperm.xlane v3, v0;
	_ =	sdelay $0x1  }
0x11f: {  	v3 =	vperm.xlane v3, v2;
	v4 =	vadd.s32 v1, v4;
	_ =	sdelay $0x1  }
0x120: {  	s14 =	sld [smem:$0x7FA];
	v3 =	vadd.s32 v1, v3;
	_ =	sdelay $0x1  }
0x121: {  	s16 =	sld [smem:$0x7FB]  }
0x122: {  	[tilespmem:s14], [sflag:$0x6] =	stream.indirect_vreg.gather [hbm4b:s4+s2], $0x80, v4, vm0, $0xb8;
	[tilespmem:$0x18400] =	vst v63  }
0x123: {  	_ = 	snop  }
0x124: {  	[tilespmem:s16], [sflag:$0x6] =	stream.indirect_vreg.gather [hbm4b:s4+s2], $0x80, v3, vm0, $0xb8;
	[tilespmem:$0x18400] =	vst v63  }
0x125: {  	v3 =	vld [tilespmem:$0x2B0];
	_ =	sdelay $0x4  }
0x126: {  	v55 =	vshll.u32 v3, $0x1  }
0x127: {  	v3 =	vand.u32 $0x7, v3;
	v4 =	vand.u32 $0xFFFFFFF0, v55  }
0x128: {  	v3 =	vor.u32 v3, v4  }
0x129: {  	v4 =	vperm.xlane v3, v0;
	_ =	sdelay $0x1  }
0x12a: {  	v3 =	vperm.xlane v3, v2;
	v4 =	vadd.s32 v1, v4;
	_ =	sdelay $0x1  }
0x12b: {  	s14 =	sld [smem:$0x7FC];
	v3 =	vadd.s32 v1, v3;
	_ =	sdelay $0x1  }
0x12c: {  	s16 =	sld [smem:$0x7FD]  }
0x12d: {  	[tilespmem:s14], [sflag:$0x6] =	stream.indirect_vreg.gather [hbm4b:s4+s2], $0x80, v4, vm0, $0xb8;
	[tilespmem:$0x18400] =	vst v63  }
0x12e: {  	_ = 	snop  }
0x12f: {  	[tilespmem:s16], [sflag:$0x6] =	stream.indirect_vreg.gather [hbm4b:s4+s2], $0x80, v3, vm0, $0xb8;
	[tilespmem:$0x18400] =	vst v63  }
0x130: {  	_ =	swait.ge [sflag:s28], $0x4000  }
0x131: {  	s16 =	sld [smem:$0x7F6]  }
0x132: {  	[sflag:s28] =	ssyncset.done $0x0  }
0x133: {  	[sflag:s28] =	ssyncadd.s32 $0xFFFFC000  }
0x134: {  	[hbm4b:s16+s2] =	stream.linear.scatter [tilespmem:s7], [sflag:$0x7], $0x4000, $0x38;
	[tilespmem:$0x18400] =	vst v63  }
0x135: {  	_ =	swait.ge [sflag:s29], $0x4000  }
0x136: {  	[sflag:s29] =	ssyncset.done $0x0  }
0x137: {  	s16 =	rddreg [dreg:$0x4];
	[sflag:s29] =	ssyncadd.s32 $0xFFFFC000  }
0x138: {  	[hbm4b:s16+s2] =	stream.linear.scatter [tilespmem:s15], [sflag:$0x8], $0x4000, $0x38;
	[tilespmem:$0x18400] =	vst v63  }
0x139: {  	s16 =	simm.s32 $0x3  }
0x13a: {  	_ =	swait.ge [sflag:s16], $0x4000  }
0x13b: {  	[sflag:s16] =	ssyncset.done $0x0  }
0x13c: {  	s14 =	rddreg [dreg:$0x5];
	[sflag:s16] =	ssyncadd.s32 $0xFFFFC000  }
0x13d: {  	[hbm4b:s14+s2] =	stream.linear.scatter [tilespmem:s1], [sflag:$0x9], $0x4000, $0x38;
	[tilespmem:$0x18400] =	vst v63  }
0x13e: {  	s14 =	simm.s32 $0x4  }
0x13f: {  	_ =	swait.ge [sflag:s14], $0x4000  }
0x140: {  	[sflag:s14] =	ssyncset.done $0x0  }
0x141: {  	s16 =	rddreg [dreg:$0x6];
	[sflag:s14] =	ssyncadd.s32 $0xFFFFC000  }
0x142: {  	[hbm4b:s16+s2] =	stream.linear.scatter [tilespmem:s0], [sflag:$0xA], $0x4000, $0x38;
	[tilespmem:$0x18400] =	vst v63  }
0x143: {  	s16 =	simm.s32 $0x5  }
0x144: {  	_ =	swait.ge [sflag:s16], $0x4000  }
0x145: {  	[sflag:s16] =	ssyncset.done $0x0  }
0x146: {  	s14 =	simm.s32 $0x6;
	s1 =	rddreg [dreg:$0x7];
	[sflag:s16] =	ssyncadd.s32 $0xFFFFC000  }
0x147: {  	[hbm4b:s1+s2] =	stream.linear.scatter [tilespmem:s10], [sflag:$0xB], $0x4000, $0x38;
	[tilespmem:$0x18400] =	vst v63  }
0x148: {  	_ =	swait.ge [sflag:s14], $0x4000  }
0x149: {  	[sflag:s14] =	ssyncset.done $0x0  }
0x14a: {  	s16 =	rddreg [dreg:$0x8];
	[sflag:s14] =	ssyncadd.s32 $0xFFFFC000  }
0x14b: {  	[hbm4b:s16+s2] =	stream.linear.scatter [tilespmem:s11], [sflag:$0xC], $0x4000, $0x38;
	[tilespmem:$0x18400] =	vst v63  }
0x14c: {  	_ =	swait.ge [sflag:s8], $0x4000  }
0x14d: {  	[sflag:s8] =	ssyncset.done $0x0  }
0x14e: {  	[sflag:s8] =	ssyncadd.s32 $0xFFFFC000  }
0x14f: {  	v3 =	vld [tilespmem:$0x300];
	_ =	sdelay $0x4  }
0x150: {  	v56 =	vshll.u32 v3, $0x1  }
0x151: {  	v3 =	vand.u32 $0x7, v3;
	v4 =	vand.u32 $0xFFFFFFF0, v56  }
0x152: {  	v3 =	vor.u32 v3, v4  }
0x153: {  	v4 =	vperm.xlane v3, v0;
	_ =	sdelay $0x1  }
0x154: {  	v3 =	vperm.xlane v3, v2;
	v4 =	vadd.s32 v1, v4;
	_ =	sdelay $0x1  }
0x155: {  	v3 =	vadd.s32 v1, v3;
	_ =	sdelay $0x2  }
0x156: {  	[tilespmem:s7], [sflag:$0x1] =	stream.indirect_vreg.gather [hbm4b:s4+s2], $0x80, v4, vm0, $0xb8;
	[tilespmem:$0x18400] =	vst v63  }
0x157: {  	_ = 	snop  }
0x158: {  	[tilespmem:s17], [sflag:$0x1] =	stream.indirect_vreg.gather [hbm4b:s4+s2], $0x80, v3, vm0, $0xb8;
	[tilespmem:$0x18400] =	vst v63  }
0x159: {  	v3 =	vld [tilespmem:$0x310];
	_ =	sdelay $0x4  }
0x15a: {  	v57 =	vshll.u32 v3, $0x1  }
0x15b: {  	v3 =	vand.u32 $0x7, v3;
	v4 =	vand.u32 $0xFFFFFFF0, v57  }
0x15c: {  	v3 =	vor.u32 v3, v4  }
0x15d: {  	v4 =	vperm.xlane v3, v0;
	_ =	sdelay $0x1  }
0x15e: {  	v3 =	vperm.xlane v3, v2;
	v4 =	vadd.s32 v1, v4;
	_ =	sdelay $0x1  }
0x15f: {  	v3 =	vadd.s32 v1, v3;
	_ =	sdelay $0x2  }
0x160: {  	[tilespmem:s18], [sflag:$0x1] =	stream.indirect_vreg.gather [hbm4b:s4+s2], $0x80, v4, vm0, $0xb8;
	[tilespmem:$0x18400] =	vst v63  }
0x161: {  	_ = 	snop  }
0x162: {  	[tilespmem:s19], [sflag:$0x1] =	stream.indirect_vreg.gather [hbm4b:s4+s2], $0x80, v3, vm0, $0xb8;
	[tilespmem:$0x18400] =	vst v63  }
0x163: {  	v3 =	vld [tilespmem:$0x320];
	_ =	sdelay $0x4  }
0x164: {  	v58 =	vshll.u32 v3, $0x1  }
0x165: {  	v3 =	vand.u32 $0x7, v3;
	v4 =	vand.u32 $0xFFFFFFF0, v58  }
0x166: {  	v3 =	vor.u32 v3, v4  }
0x167: {  	v4 =	vperm.xlane v3, v0;
	_ =	sdelay $0x1  }
0x168: {  	v3 =	vperm.xlane v3, v2;
	v4 =	vadd.s32 v1, v4;
	_ =	sdelay $0x1  }
0x169: {  	v3 =	vadd.s32 v1, v3;
	_ =	sdelay $0x2  }
0x16a: {  	[tilespmem:s20], [sflag:$0x1] =	stream.indirect_vreg.gather [hbm4b:s4+s2], $0x80, v4, vm0, $0xb8;
	[tilespmem:$0x18400] =	vst v63  }
0x16b: {  	_ = 	snop  }
0x16c: {  	[tilespmem:s21], [sflag:$0x1] =	stream.indirect_vreg.gather [hbm4b:s4+s2], $0x80, v3, vm0, $0xb8;
	[tilespmem:$0x18400] =	vst v63  }
0x16d: {  	v3 =	vld [tilespmem:$0x330];
	_ =	sdelay $0x4  }
0x16e: {  	v59 =	vshll.u32 v3, $0x1  }
0x16f: {  	v3 =	vand.u32 $0x7, v3;
	v4 =	vand.u32 $0xFFFFFFF0, v59  }
0x170: {  	v3 =	vor.u32 v3, v4  }
0x171: {  	v4 =	vperm.xlane v3, v0;
	_ =	sdelay $0x1  }
0x172: {  	v3 =	vperm.xlane v3, v2;
	v4 =	vadd.s32 v1, v4;
	_ =	sdelay $0x1  }
0x173: {  	v3 =	vadd.s32 v1, v3;
	_ =	sdelay $0x2  }
0x174: {  	[tilespmem:s22], [sflag:$0x1] =	stream.indirect_vreg.gather [hbm4b:s4+s2], $0x80, v4, vm0, $0xb8;
	[tilespmem:$0x18400] =	vst v63  }
0x175: {  	_ = 	snop  }
0x176: {  	[tilespmem:s23], [sflag:$0x1] =	stream.indirect_vreg.gather [hbm4b:s4+s2], $0x80, v3, vm0, $0xb8;
	[tilespmem:$0x18400] =	vst v63  }
0x177: {  	_ =	swait.ge [sflag:s28], $0x4000  }
0x178: {  	[sflag:s28] =	ssyncset.done $0x0  }
0x179: {  	s1 =	rddreg [dreg:$0x9];
	[sflag:s28] =	ssyncadd.s32 $0xFFFFC000  }
0x17a: {  	[hbm4b:s1+s2] =	stream.linear.scatter [tilespmem:s7], [sflag:$0x7], $0x4000, $0x38;
	[tilespmem:$0x18400] =	vst v63  }
0x17b: {  	_ =	swait.ge [sflag:s9], $0x4000  }
0x17c: {  	[sflag:s9] =	ssyncset.done $0x0  }
0x17d: {  	[sflag:s9] =	ssyncadd.s32 $0xFFFFC000  }
0x17e: {  	v3 =	vld [tilespmem:$0x380];
	_ =	sdelay $0x4  }
0x17f: {  	v60 =	vshll.u32 v3, $0x1  }
0x180: {  	v3 =	vand.u32 $0x7, v3;
	v4 =	vand.u32 $0xFFFFFFF0, v60  }
0x181: {  	v3 =	vor.u32 v3, v4  }
0x182: {  	v4 =	vperm.xlane v3, v0;
	_ =	sdelay $0x1  }
0x183: {  	v3 =	vperm.xlane v3, v2;
	v4 =	vadd.s32 v1, v4;
	_ =	sdelay $0x1  }
0x184: {  	v3 =	vadd.s32 v1, v3;
	_ =	sdelay $0x2  }
0x185: {  	[tilespmem:s15], [sflag:$0x2] =	stream.indirect_vreg.gather [hbm4b:s4+s2], $0x80, v4, vm0, $0xb8;
	[tilespmem:$0x18400] =	vst v63  }
0x186: {  	_ = 	snop  }
0x187: {  	[tilespmem:s24], [sflag:$0x2] =	stream.indirect_vreg.gather [hbm4b:s4+s2], $0x80, v3, vm0, $0xb8;
	[tilespmem:$0x18400] =	vst v63  }
0x188: {  	v3 =	vld [tilespmem:$0x390];
	_ =	sdelay $0x4  }
0x189: {  	v61 =	vshll.u32 v3, $0x1  }
0x18a: {  	v3 =	vand.u32 $0x7, v3;
	v4 =	vand.u32 $0xFFFFFFF0, v61  }
0x18b: {  	v3 =	vor.u32 v3, v4  }
0x18c: {  	v4 =	vperm.xlane v3, v0;
	_ =	sdelay $0x1  }
0x18d: {  	v3 =	vperm.xlane v3, v2;
	v4 =	vadd.s32 v1, v4;
	_ =	sdelay $0x1  }
0x18e: {  	v3 =	vadd.s32 v1, v3;
	_ =	sdelay $0x2  }
0x18f: {  	[tilespmem:s25], [sflag:$0x2] =	stream.indirect_vreg.gather [hbm4b:s4+s2], $0x80, v4, vm0, $0xb8;
	[tilespmem:$0x18400] =	vst v63  }
0x190: {  	_ = 	snop  }
0x191: {  	[tilespmem:s26], [sflag:$0x2] =	stream.indirect_vreg.gather [hbm4b:s4+s2], $0x80, v3, vm0, $0xb8;
	[tilespmem:$0x18400] =	vst v63  }
0x192: {  	v3 =	vld [tilespmem:$0x3A0];
	_ =	sdelay $0x4  }
0x193: {  	v62 =	vshll.u32 v3, $0x1  }
0x194: {  	v3 =	vand.u32 $0x7, v3;
	v4 =	vand.u32 $0xFFFFFFF0, v62  }
0x195: {  	v3 =	vor.u32 v3, v4  }
0x196: {  	v4 =	vperm.xlane v3, v0;
	_ =	sdelay $0x1  }
0x197: {  	v3 =	vperm.xlane v3, v2;
	v4 =	vadd.s32 v1, v4;
	_ =	sdelay $0x1  }
0x198: {  	v3 =	vadd.s32 v1, v3;
	_ =	sdelay $0x2  }
0x199: {  	[tilespmem:s3], [sflag:$0x2] =	stream.indirect_vreg.gather [hbm4b:s4+s2], $0x80, v4, vm0, $0xb8;
	[tilespmem:$0x18400] =	vst v63  }
0x19a: {  	_ = 	snop  }
0x19b: {  	[tilespmem:s6], [sflag:$0x2] =	stream.indirect_vreg.gather [hbm4b:s4+s2], $0x80, v3, vm0, $0xb8;
	[tilespmem:$0x18400] =	vst v63  }
0x19c: {  	v3 =	vld [tilespmem:$0x3B0];
	_ =	sdelay $0x4  }
0x19d: {  	v63 =	vshll.u32 v3, $0x1  }
0x19e: {  	v3 =	vand.u32 $0x7, v3;
	v4 =	vand.u32 $0xFFFFFFF0, v63  }
0x19f: {  	v3 =	vor.u32 v3, v4  }
0x1a0: {  	v4 =	vperm.xlane v3, v0;
	_ =	sdelay $0x1  }
0x1a1: {  	v3 =	vperm.xlane v3, v2;
	v4 =	vadd.s32 v1, v4;
	_ =	sdelay $0x1  }
0x1a2: {  	v3 =	vadd.s32 v1, v3;
	_ =	sdelay $0x2  }
0x1a3: {  	[tilespmem:s30], [sflag:$0x2] =	stream.indirect_vreg.gather [hbm4b:s4+s2], $0x80, v4, vm0, $0xb8;
	[tilespmem:$0x18400] =	vst v63  }
0x1a4: {  	_ = 	snop  }
0x1a5: {  	[tilespmem:s31], [sflag:$0x2] =	stream.indirect_vreg.gather [hbm4b:s4+s2], $0x80, v3, vm0, $0xb8;
	[tilespmem:$0x18400] =	vst v63  }
0x1a6: {  	_ =	swait.ge [sflag:s29], $0x4000  }
0x1a7: {  	[sflag:s29] =	ssyncset.done $0x0  }
0x1a8: {  	s14 =	simm.s32 $0x9;
	s3 =	rddreg [dreg:$0xa];
	[sflag:s29] =	ssyncadd.s32 $0xFFFFC000  }
0x1a9: {  	[hbm4b:s3+s2] =	stream.linear.scatter [tilespmem:s15], [sflag:$0x8], $0x4000, $0x38;
	[tilespmem:$0x18400] =	vst v63  }
0x1aa: {  	_ =	swait.ge [sflag:s14], $0x4000  }
0x1ab: {  	[sflag:s14] =	ssyncset.done $0x0  }
0x1ac: {  	s16 =	simm.s32 $0xA;
	[sflag:s14] =	ssyncadd.s32 $0xFFFFC000  }
0x1ad: {  	_ =	swait.ge [sflag:s16], $0x4000  }
0x1ae: {  	[sflag:s16] =	ssyncset.done $0x0  }
0x1af: {  	[sflag:s16] =	ssyncadd.s32 $0xFFFFC000  }
0x1b0: {  	_ =	swait.ge [sflag:s12], $0x4000  }
0x1b1: {  	[sflag:s12] =	ssyncset.done $0x0  }
0x1b2: {  	[sflag:s12] =	ssyncadd.s32 $0xFFFFC000  }
0x1b3: {  	_ =	swait.ge [sflag:s13], $0x4000  }
0x1b4: {  	[sflag:s13] =	ssyncset.done $0x0  }
0x1b5: {  	[sflag:s13] =	ssyncadd.s32 $0xFFFFC000  }
0x1b6: {  	p0 =	sne.s32 s5, $0x1;
	_ =	swait.ge [sflag:s8], $0x4000  }
.Ltmp0:
0x1b7: {  	[sflag:s8] =	ssyncset.done $0x0;
	(pc) =	sbr.rel @p0 .LBB2_1-.Ltmp0, $4  }
0x1b8: {  	[sflag:s8] =	ssyncadd.s32 $0xFFFFC000  }
0x1b9: {  	_ =	swait.ge [sflag:s9], $0x4000  }
0x1ba: {  	[sflag:s9] =	ssyncset.done $0x0  }
0x1bb: {  	s5 =	sadd.s32 $0xFFFFFFFF, s5;
	[sflag:s9] =	ssyncadd.s32 $0xFFFFC000  }
0x1bc: {  	_ =	sfence.sel $0x180000  }
0x1bd: {  	[bflag:$0x0] =	sbarrier.arrive $0xFFFF  }
0x1be: {  	_ =	strace $0x90000047  }
0x1bf: {  	s0 =	stileid.u32;
	[bflag:$0x2] =	sbarrier.arrive $0xFFFF  }
0x1c0: {  	p0 =	sne.s32 s0, $0x0;
	s0 =	rddreg [dreg:$0x2]  }
0x1c1: {  	s0 =	sadd.s32 @!p0 $0x100000, s0  }
0x1c2: {  	[sflag:s0] =	ssyncadd.tile.s32 @!p0 $0x1;
	_ =	shalt  }
.Lfunc_end2:
_tile_overlayer_lowered:
.L_overlay_start_2:
0x1c3: {  	(tag) =	ssettag $0x2  }
0x1c4: {  	s0 =	rddreg [dreg:$0x0];
	s2 =	stileid.u32  }
0x1c5: {  	s1 =	rddreg [dreg:$0x1];
	p0 =	sne.s32 s2, $0x0  }
0x1c6: {  	s3 =	rddreg [dreg:$0x2];
	[bflag:$0x3] =	sbarrier.arrive $0xFFFF;
	s2 =	simm.s32 @!p0 $0x1C0D  }
0x1c7: {  	[timem:s3], [sflag:s2] =	dma.local @!p0 [hbm:s0], s1  }
0x1c8: {  	s0 =	simm.s32 @!p0 $0xD  }
0x1c9: {  	_ =	swait.ge @!p0 [sflag:s0], s1  }
0x1ca: {  	s1 =	ssub.s32 @!p0 $0x0, s1;
	[sflag:s0] =	ssyncset.done @!p0 $0x0  }
0x1cb: {  	[sflag:s0] =	ssyncadd.s32 @!p0 s1  }
0x1cc: {  	[bflag:$0x3] =	sbarrier.arrive $0xFFFF  }
0x1cd: {  	_ =	shalt  }

</sc_bundles>
